<compile_context>
chip_gen: v7x
topology: tpu7x:2x2x1
jax: 0.10.2.dev20260603
libtpu: 0.0.44.dev20260713+nightly
codegen_flags: <defaults>
</compile_context>

<pallas_src>
import functools

import jax
import jax.numpy as jnp
from jax import lax
from jax.experimental import pallas as pl
from jax.experimental.pallas import tpu as pltpu
from jax.experimental.pallas import tpu_sc as plsc

B = 4
M = 2048
NC, NS, L = 2, 16, 16
NW = NC * NS
W_PER_B = NW // B

SC_X = 512
SC_ROWS_PER_W = B * SC_X // NW
CHUNK = 4
PASS_ROWS = CHUNK * L
NPASS = SC_ROWS_PER_W // PASS_ROWS

TC_RB = 768
TC_CB = 2048
TC_NRB = (M - SC_X) // TC_RB


def _sc_nn_cost(p1x, p1y, p2x, p2y):
    mesh = plsc.VectorSubcoreMesh(
        core_axis_name="c", subcore_axis_name="s",
        num_cores=NC, num_subcores=NS)

    @functools.partial(
        pl.kernel,
        out_type=jax.ShapeDtypeStruct((NW * L,), jnp.float32),
        mesh=mesh,
        scratch_types=[
            pltpu.VMEM((SC_ROWS_PER_W,), jnp.float32),
            pltpu.VMEM((SC_ROWS_PER_W,), jnp.float32),
            pltpu.VMEM((M,), jnp.float32),
            pltpu.VMEM((M,), jnp.float32),
            pltpu.VMEM((M,), jnp.float32),
            pltpu.VMEM((L,), jnp.float32),
        ],
    )
    def k(p1x_h, p1y_h, p2x_h, p2y_h, out_h,
          p1x_v, p1y_v, p2x_v, p2y_v, n2_v, out_v):
        c = lax.axis_index("c")
        s = lax.axis_index("s")
        w = c * NS + s
        b = w // W_PER_B
        base = b * M + (w % W_PER_B) * SC_ROWS_PER_W
        pltpu.sync_copy(p1x_h.at[pl.ds(base, SC_ROWS_PER_W)], p1x_v)
        pltpu.sync_copy(p1y_h.at[pl.ds(base, SC_ROWS_PER_W)], p1y_v)
        pltpu.sync_copy(p2x_h.at[pl.ds(b * M, M)], p2x_v)
        pltpu.sync_copy(p2y_h.at[pl.ds(b * M, M)], p2y_v)

        def n2_body(kk, carry):
            x2 = p2x_v[pl.ds(kk * L, L)]
            y2 = p2y_v[pl.ds(kk * L, L)]
            n2_v[pl.ds(kk * L, L)] = x2 * x2 + y2 * y2
            return carry
        lax.fori_loop(0, M // L, n2_body, 0)

        s_vec = jnp.zeros((L,), jnp.float32)
        for p in range(NPASS):
            nx, ny = [], []
            for rc in range(CHUNK):
                off = p * PASS_ROWS + rc * L
                x1 = p1x_v[pl.ds(off, L)]
                y1 = p1y_v[pl.ds(off, L)]
                s_vec = s_vec + (x1 * x1 + y1 * y1)
                nx.append(x1 * -2.0)
                ny.append(y1 * -2.0)

            def jj_body(jj, m, nx=nx, ny=ny):
                base_j = jj * L
                x2v = p2x_v[pl.ds(base_j, L)]
                y2v = p2y_v[pl.ds(base_j, L)]
                n2v = n2_v[pl.ds(base_j, L)]

                def u_body(u, mm):
                    uv = jnp.full((L,), u, jnp.int32)
                    x2b = jnp.take_along_axis(
                        x2v, uv, axis=0, mode="promise_in_bounds")
                    y2b = jnp.take_along_axis(
                        y2v, uv, axis=0, mode="promise_in_bounds")
                    n2b = jnp.take_along_axis(
                        n2v, uv, axis=0, mode="promise_in_bounds")
                    return tuple(
                        jnp.minimum(mm[rc], n2b + nx[rc] * x2b + ny[rc] * y2b)
                        for rc in range(CHUNK))

                return lax.fori_loop(0, L, u_body, m, unroll=4)

            m0 = tuple(jnp.full((L,), 3.0e38, jnp.float32)
                       for _ in range(CHUNK))
            m = lax.fori_loop(0, M // L, jj_body, m0)
            for rc in range(CHUNK):
                s_vec = s_vec + m[rc]

        out_v[...] = s_vec
        pltpu.sync_copy(out_v, out_h.at[pl.ds(w * L, L)])

    return k(p1x, p1y, p2x, p2y)


def _tc_body(p1x_r, p1y_r, p2x_r, p2y_r, o_r):
    s = jnp.float32(0.0)
    for rb in range(TC_NRB):
        r0 = SC_X + rb * TC_RB
        x1 = p1x_r[0, 0, pl.ds(r0, TC_RB)]
        y1 = p1y_r[0, 0, pl.ds(r0, TC_RB)]
        x1m2 = (x1 * -2.0)[:, None]
        y1m2 = (y1 * -2.0)[:, None]

        def cb(ci, m, x1m2=x1m2, y1m2=y1m2):
            x2 = p2x_r[0, 0, pl.ds(ci * TC_CB, TC_CB)][None, :]
            y2 = p2y_r[0, 0, pl.ds(ci * TC_CB, TC_CB)][None, :]
            n2 = x2 * x2 + y2 * y2
            d = n2 + x1m2 * x2 + y1m2 * y2
            return jnp.minimum(m, jnp.min(d, axis=1))

        m = lax.fori_loop(0, M // TC_CB, cb,
                          jnp.full((TC_RB,), 3.0e38, jnp.float32))
        s = s + jnp.sum(m + (x1 * x1 + y1 * y1))
    o_r[0, 0, :] = jnp.full((128,), s, jnp.float32)


def _tc_nn_cost(p1x2, p1y2, p2x2, p2y2):
    a = [v.reshape(B, 1, M) for v in (p1x2, p1y2, p2x2, p2y2)]
    spec = pl.BlockSpec((1, 1, M), lambda b: (b, 0, 0))
    out = pl.pallas_call(
        _tc_body,
        grid=(B,),
        in_specs=[spec, spec, spec, spec],
        out_specs=pl.BlockSpec((1, 1, 128), lambda b: (b, 0, 0)),
        out_shape=jax.ShapeDtypeStruct((B, 1, 128), jnp.float32),
        compiler_params=pltpu.CompilerParams(
            dimension_semantics=("parallel",)),
    )(*a)
    return out[:, 0, 0]


@jax.jit
def kernel(p1, p2):
    p1x2 = p1[:, :, 0]
    p1y2 = p1[:, :, 1]
    p2x2 = p2[:, :, 0]
    p2y2 = p2[:, :, 1]
    tc_part = _tc_nn_cost(p1x2, p1y2, p2x2, p2y2)
    sc_part = _sc_nn_cost(p1x2.reshape(-1), p1y2.reshape(-1),
                          p2x2.reshape(-1), p2y2.reshape(-1))
    return sc_part.reshape(B, W_PER_B * L).sum(axis=1) + tc_part

# --- scband reference (transcript-rebuilt; emitter-appended) ---
"""Pipeline reference for scband-opencvemd-26336739459366 (READ-ONLY COPY).

The authoritative reference and input builder live on the scoring server;
editing this copy changes nothing except your own understanding.
"""

import jax, jax.numpy as jnp
import numpy as np


def setup_inputs(seed: int = 0) -> dict:
    key = jax.random.key(seed)
    k1, k2 = jax.random.split(key)
    p1 = jax.random.uniform(k1, (4, 2048, 2), dtype=jnp.float32)
    p2 = jax.random.uniform(k2, (4, 2048, 2), dtype=jnp.float32)
    return {"p1": p1, "p2": p2}


def reference(p1, p2):
    # up1: [b, m, 1, d], up2: [b, 1, m, d]
    up1 = p1[:, :, None, :]
    up2 = p2[:, None, :, :]
    # full pairwise squared-distance map [b, m, m]
    distance_map = jnp.sum((up1 - up2) ** 2, axis=3)
    # Original uses cv2.EMD's flow argmax (detached, non-differentiable) to pick
    # a target point in p2 for every point in p1. JAX-native stand-in: argmin of
    # the same cost/distance map (nearest-neighbor assignment under the same
    # ground metric), which is likewise non-differentiable w.r.t. inputs.
    index = jnp.argmin(distance_map, axis=2)            # [b, m] int
    idx = jnp.repeat(index[:, :, None], 2, axis=2)      # [b, m, 2] (matches index.repeat((1,1,2)))
    new_p2 = jnp.take_along_axis(p2, idx, axis=1)       # gather matched points
    cost = jnp.sum((p1 - new_p2) ** 2, axis=2)          # [b, m]
    cost = jnp.sum(cost, axis=1)                        # [b]
    return cost

if __name__ == "__main__":
    import jax
    _d = setup_inputs()
    print(jax.jit(kernel)(*tuple(_d.values())))

</pallas_src>

<mosaic_0001>
#map = affine_map<(d0, d1) -> (0)>
module attributes {stable_mosaic.version = 14 : i64} {
  func.func @k(%arg0: i32, %arg1: i32, %arg2: memref<8192xf32, #tpu.memory_space<hbm>>, %arg3: memref<8192xf32, #tpu.memory_space<hbm>>, %arg4: memref<8192xf32, #tpu.memory_space<hbm>>, %arg5: memref<8192xf32, #tpu.memory_space<hbm>>, %arg6: memref<512xf32, #tpu.memory_space<hbm>>, %arg7: memref<64xf32, #tpu.memory_space<vmem>>, %arg8: memref<64xf32, #tpu.memory_space<vmem>>, %arg9: memref<2048xf32, #tpu.memory_space<vmem>>, %arg10: memref<2048xf32, #tpu.memory_space<vmem>>, %arg11: memref<2048xf32, #tpu.memory_space<vmem>>, %arg12: memref<16xf32, #tpu.memory_space<vmem>>) attributes {dimension_semantics = [#tpu.dimension_semantics<core_parallel>, #tpu.dimension_semantics<subcore_parallel>], iteration_bounds = array<i64: 2, 16>, scalar_prefetch = 0 : i64, scratch_operands = 6 : i64, tpu.core_type = #tpu.core_type<sc_vector_subcore>, window_params = [{transform_indices = #map}, {transform_indices = #map}, {transform_indices = #map}, {transform_indices = #map}, {transform_indices = #map}]} {
    %mul3A = arith.constant 16 : i32
    %mul3A_0 = arith.muli %arg0, %mul3A : i32
    %add3A = arith.addi %mul3A_0, %arg1 : i32
    %jit3A = arith.constant 8 : i32
    %div3A = arith.divsi %add3A, %jit3A : i32
    %sign3A = arith.constant 0 : i32
    %sign3A_1 = arith.cmpi sgt, %add3A, %sign3A : i32
    %sign3A_2 = arith.extui %sign3A_1 : i1 to i32
    %sign3A_3 = arith.constant 0 : i32
    %sign3A_4 = arith.cmpi slt, %add3A, %sign3A_3 : i32
    %sign3A_5 = arith.extui %sign3A_4 : i1 to i32
    %sign3A_6 = arith.subi %sign3A_2, %sign3A_5 : i32
    %sign3A_7 = arith.constant 0 : i32
    %sign3A_8 = arith.cmpi sgt, %jit3A, %sign3A_7 : i32
    %sign3A_9 = arith.extui %sign3A_8 : i1 to i32
    %sign3A_10 = arith.constant 0 : i32
    %sign3A_11 = arith.cmpi slt, %jit3A, %sign3A_10 : i32
    %sign3A_12 = arith.extui %sign3A_11 : i1 to i32
    %sign3A_13 = arith.subi %sign3A_9, %sign3A_12 : i32
    %ne3A = arith.cmpi ne, %sign3A_6, %sign3A_13 : i32
    %rem3A = arith.remsi %add3A, %jit3A : i32
    %ne3A_14 = arith.constant 0 : i32
    %ne3A_15 = arith.cmpi ne, %rem3A, %ne3A_14 : i32
    %and3A = arith.andi %ne3A, %ne3A_15 : i1
    %sub3A = arith.constant 1 : i32
    %sub3A_16 = arith.subi %div3A, %sub3A : i32
    %select_n3A = arith.select %and3A, %sub3A_16, %div3A : i32
    %mul3A_17 = arith.constant 2048 : i32
    %mul3A_18 = arith.muli %select_n3A, %mul3A_17 : i32
    %jit3A_19 = arith.constant 8 : i32
    %eq3A = arith.constant 0 : i32
    %eq3A_20 = arith.cmpi eq, %jit3A_19, %eq3A : i32
    %jit3A_21 = arith.constant 1 : i32
    %select_n3A_22 = arith.select %eq3A_20, %jit3A_21, %jit3A_19 : i32
    %rem3A_23 = arith.remsi %add3A, %select_n3A_22 : i32
    %ne3A_24 = arith.constant 0 : i32
    %ne3A_25 = arith.cmpi ne, %rem3A_23, %ne3A_24 : i32
    %lt3A = arith.constant 0 : i32
    %lt3A_26 = arith.cmpi slt, %rem3A_23, %lt3A : i32
    %lt3A_27 = arith.constant 0 : i32
    %lt3A_28 = arith.cmpi slt, %select_n3A_22, %lt3A_27 : i32
    %ne3A_29 = arith.xori %lt3A_26, %lt3A_28 : i1
    %and3A_30 = arith.andi %ne3A_29, %ne3A_25 : i1
    %add3A_31 = arith.addi %rem3A_23, %select_n3A_22 : i32
    %select_n3A_32 = arith.select %and3A_30, %add3A_31, %rem3A_23 : i32
    %mul3A_33 = arith.constant 64 : i32
    %mul3A_34 = arith.muli %select_n3A_32, %mul3A_33 : i32
    %add3A_35 = arith.addi %mul3A_18, %mul3A_34 : i32
    "tpu.region"() ({
      %run_scoped3A = tpu.sem_alloc : memref<!tpu.dma_semaphore, #tpu.memory_space<semaphore_mem>>
      %dma_start3A = tpu.memref_slice %arg2[%add3A_35] : memref<8192xf32, #tpu.memory_space<hbm>> -> memref<64xf32, #tpu.memory_space<hbm>>
      %dma_start3A_132 = tpu.memref_slice %arg2[%add3A_35] : memref<8192xf32, #tpu.memory_space<hbm>> -> memref<64xf32, #tpu.memory_space<hbm>>
      tpu.enqueue_dma source(%dma_start3A_132 : memref<64xf32, #tpu.memory_space<hbm>>) target(%arg7 : memref<64xf32, #tpu.memory_space<vmem>>) target_semaphore(%run_scoped3A : memref<!tpu.dma_semaphore, #tpu.memory_space<semaphore_mem>>)
      %dma_wait3A = tpu.memref_slice %arg2[%add3A_35] : memref<8192xf32, #tpu.memory_space<hbm>> -> memref<64xf32, #tpu.memory_space<hbm>>
      %dma_wait3A_133 = tpu.memref_slice %arg2[%add3A_35] : memref<8192xf32, #tpu.memory_space<hbm>> -> memref<64xf32, #tpu.memory_space<hbm>>
      tpu.wait_dma2 semaphore(%run_scoped3A : memref<!tpu.dma_semaphore, #tpu.memory_space<semaphore_mem>>) src(%dma_wait3A_133 : memref<64xf32, #tpu.memory_space<hbm>>) dst(%arg7 : memref<64xf32, #tpu.memory_space<vmem>>)
      tpu.yield
    }) : () -> ()
    "tpu.region"() ({
      %run_scoped3A = tpu.sem_alloc : memref<!tpu.dma_semaphore, #tpu.memory_space<semaphore_mem>>
      %dma_start3A = tpu.memref_slice %arg3[%add3A_35] : memref<8192xf32, #tpu.memory_space<hbm>> -> memref<64xf32, #tpu.memory_space<hbm>>
      %dma_start3A_132 = tpu.memref_slice %arg3[%add3A_35] : memref<8192xf32, #tpu.memory_space<hbm>> -> memref<64xf32, #tpu.memory_space<hbm>>
      tpu.enqueue_dma source(%dma_start3A_132 : memref<64xf32, #tpu.memory_space<hbm>>) target(%arg8 : memref<64xf32, #tpu.memory_space<vmem>>) target_semaphore(%run_scoped3A : memref<!tpu.dma_semaphore, #tpu.memory_space<semaphore_mem>>)
      %dma_wait3A = tpu.memref_slice %arg3[%add3A_35] : memref<8192xf32, #tpu.memory_space<hbm>> -> memref<64xf32, #tpu.memory_space<hbm>>
      %dma_wait3A_133 = tpu.memref_slice %arg3[%add3A_35] : memref<8192xf32, #tpu.memory_space<hbm>> -> memref<64xf32, #tpu.memory_space<hbm>>
      tpu.wait_dma2 semaphore(%run_scoped3A : memref<!tpu.dma_semaphore, #tpu.memory_space<semaphore_mem>>) src(%dma_wait3A_133 : memref<64xf32, #tpu.memory_space<hbm>>) dst(%arg8 : memref<64xf32, #tpu.memory_space<vmem>>)
      tpu.yield
    }) : () -> ()
    %mul3A_36 = arith.constant 2048 : i32
    %mul3A_37 = arith.muli %select_n3A, %mul3A_36 : i32
    "tpu.region"() ({
      %run_scoped3A = tpu.sem_alloc : memref<!tpu.dma_semaphore, #tpu.memory_space<semaphore_mem>>
      %dma_start3A = tpu.memref_slice %arg4[%mul3A_37] : memref<8192xf32, #tpu.memory_space<hbm>> -> memref<2048xf32, #tpu.memory_space<hbm>>
      %dma_start3A_132 = tpu.memref_slice %arg4[%mul3A_37] : memref<8192xf32, #tpu.memory_space<hbm>> -> memref<2048xf32, #tpu.memory_space<hbm>>
      tpu.enqueue_dma source(%dma_start3A_132 : memref<2048xf32, #tpu.memory_space<hbm>>) target(%arg9 : memref<2048xf32, #tpu.memory_space<vmem>>) target_semaphore(%run_scoped3A : memref<!tpu.dma_semaphore, #tpu.memory_space<semaphore_mem>>)
      %dma_wait3A = tpu.memref_slice %arg4[%mul3A_37] : memref<8192xf32, #tpu.memory_space<hbm>> -> memref<2048xf32, #tpu.memory_space<hbm>>
      %dma_wait3A_133 = tpu.memref_slice %arg4[%mul3A_37] : memref<8192xf32, #tpu.memory_space<hbm>> -> memref<2048xf32, #tpu.memory_space<hbm>>
      tpu.wait_dma2 semaphore(%run_scoped3A : memref<!tpu.dma_semaphore, #tpu.memory_space<semaphore_mem>>) src(%dma_wait3A_133 : memref<2048xf32, #tpu.memory_space<hbm>>) dst(%arg9 : memref<2048xf32, #tpu.memory_space<vmem>>)
      tpu.yield
    }) : () -> ()
    %mul3A_38 = arith.constant 2048 : i32
    %mul3A_39 = arith.muli %select_n3A, %mul3A_38 : i32
    "tpu.region"() ({
      %run_scoped3A = tpu.sem_alloc : memref<!tpu.dma_semaphore, #tpu.memory_space<semaphore_mem>>
      %dma_start3A = tpu.memref_slice %arg5[%mul3A_39] : memref<8192xf32, #tpu.memory_space<hbm>> -> memref<2048xf32, #tpu.memory_space<hbm>>
      %dma_start3A_132 = tpu.memref_slice %arg5[%mul3A_39] : memref<8192xf32, #tpu.memory_space<hbm>> -> memref<2048xf32, #tpu.memory_space<hbm>>
      tpu.enqueue_dma source(%dma_start3A_132 : memref<2048xf32, #tpu.memory_space<hbm>>) target(%arg10 : memref<2048xf32, #tpu.memory_space<vmem>>) target_semaphore(%run_scoped3A : memref<!tpu.dma_semaphore, #tpu.memory_space<semaphore_mem>>)
      %dma_wait3A = tpu.memref_slice %arg5[%mul3A_39] : memref<8192xf32, #tpu.memory_space<hbm>> -> memref<2048xf32, #tpu.memory_space<hbm>>
      %dma_wait3A_133 = tpu.memref_slice %arg5[%mul3A_39] : memref<8192xf32, #tpu.memory_space<hbm>> -> memref<2048xf32, #tpu.memory_space<hbm>>
      tpu.wait_dma2 semaphore(%run_scoped3A : memref<!tpu.dma_semaphore, #tpu.memory_space<semaphore_mem>>) src(%dma_wait3A_133 : memref<2048xf32, #tpu.memory_space<hbm>>) dst(%arg10 : memref<2048xf32, #tpu.memory_space<vmem>>)
      tpu.yield
    }) : () -> ()
    %scan3A = arith.constant 0 : i32
    %scan3A_40 = arith.constant 0 : i32
    %scan3A_41 = arith.constant 128 : i32
    %scan3A_42 = arith.addi %scan3A_40, %scan3A_41 : i32
    %scan3A_43 = arith.constant 1 : i32
    scf.for %scan3A_132 = %scan3A_40 to %scan3A_42 step %scan3A_43  : i32 {
      %mul3A_133 = arith.constant 16 : i32
      %mul3A_134 = arith.muli %scan3A_132, %mul3A_133 : i32
      %get3A_135 = arith.index_cast %mul3A_134 : i32 to index
      %get3A_136 = tpu.vector_load %arg9[%get3A_135] {strides = array<i32>} : memref<2048xf32, #tpu.memory_space<vmem>>, vector<16xf32>,
      %get3A_137 = vector.shape_cast %get3A_136 : vector<16xf32> to vector<16xf32>
      %mul3A_138 = arith.constant 16 : i32
      %mul3A_139 = arith.muli %scan3A_132, %mul3A_138 : i32
      %get3A_140 = arith.index_cast %mul3A_139 : i32 to index
      %get3A_141 = tpu.vector_load %arg10[%get3A_140] {strides = array<i32>} : memref<2048xf32, #tpu.memory_space<vmem>>, vector<16xf32>,
      %get3A_142 = vector.shape_cast %get3A_141 : vector<16xf32> to vector<16xf32>
      %mul3A_143 = arith.mulf %get3A_137, %get3A_137 : vector<16xf32>
      %mul3A_144 = arith.mulf %get3A_142, %get3A_142 : vector<16xf32>
      %add3A_145 = arith.addf %mul3A_143, %mul3A_144 : vector<16xf32>
      %mul3A_146 = arith.constant 16 : i32
      %mul3A_147 = arith.muli %scan3A_132, %mul3A_146 : i32
      %swap3A_148 = arith.index_cast %mul3A_147 : i32 to index
      %swap3A_149 = tpu.vector_load %arg11[%swap3A_148] {strides = array<i32>} : memref<2048xf32, #tpu.memory_space<vmem>>, vector<16xf32>,
      %swap3A_150 = vector.shape_cast %swap3A_149 : vector<16xf32> to vector<16xf32>
      %swap3A_151 = vector.shape_cast %add3A_145 : vector<16xf32> to vector<16xf32>
      tpu.vector_store %arg11[%swap3A_148], %swap3A_151 {strides = array<i32>} : memref<2048xf32, #tpu.memory_space<vmem>>, vector<16xf32>,
    }
    %scan3A_44 = arith.constant 128 : i32
    %broadcast_in_dim3A = arith.constant 0.000000e+00 : f32
    %broadcast_in_dim3A_45 = vector.broadcast %broadcast_in_dim3A : f32 to vector<16xf32>
    %get3A = arith.constant 0 : index
    %get3A_46 = tpu.vector_load %arg7[%get3A] {strides = array<i32>} : memref<64xf32, #tpu.memory_space<vmem>>, vector<16xf32>,
    %get3A_47 = vector.shape_cast %get3A_46 : vector<16xf32> to vector<16xf32>
    %get3A_48 = arith.constant 0 : index
    %get3A_49 = tpu.vector_load %arg8[%get3A_48] {strides = array<i32>} : memref<64xf32, #tpu.memory_space<vmem>>, vector<16xf32>,
    %get3A_50 = vector.shape_cast %get3A_49 : vector<16xf32> to vector<16xf32>
    %mul3A_51 = arith.mulf %get3A_47, %get3A_47 : vector<16xf32>
    %mul3A_52 = arith.mulf %get3A_50, %get3A_50 : vector<16xf32>
    %add3A_53 = arith.addf %mul3A_51, %mul3A_52 : vector<16xf32>
    %add3A_54 = arith.addf %broadcast_in_dim3A_45, %add3A_53 : vector<16xf32>
    %mul3A_55 = arith.constant -2.000000e+00 : f32
    %mul3A_56 = vector.broadcast %mul3A_55 : f32 to vector<16xf32>
    %mul3A_57 = arith.mulf %get3A_47, %mul3A_56 : vector<16xf32>
    %mul3A_58 = arith.constant -2.000000e+00 : f32
    %mul3A_59 = vector.broadcast %mul3A_58 : f32 to vector<16xf32>
    %mul3A_60 = arith.mulf %get3A_50, %mul3A_59 : vector<16xf32>
    %get3A_61 = arith.constant 16 : index
    %get3A_62 = tpu.vector_load %arg7[%get3A_61] {strides = array<i32>} : memref<64xf32, #tpu.memory_space<vmem>>, vector<16xf32>,
    %get3A_63 = vector.shape_cast %get3A_62 : vector<16xf32> to vector<16xf32>
    %get3A_64 = arith.constant 16 : index
    %get3A_65 = tpu.vector_load %arg8[%get3A_64] {strides = array<i32>} : memref<64xf32, #tpu.memory_space<vmem>>, vector<16xf32>,
    %get3A_66 = vector.shape_cast %get3A_65 : vector<16xf32> to vector<16xf32>
    %mul3A_67 = arith.mulf %get3A_63, %get3A_63 : vector<16xf32>
    %mul3A_68 = arith.mulf %get3A_66, %get3A_66 : vector<16xf32>
    %add3A_69 = arith.addf %mul3A_67, %mul3A_68 : vector<16xf32>
    %add3A_70 = arith.addf %add3A_54, %add3A_69 : vector<16xf32>
    %mul3A_71 = arith.constant -2.000000e+00 : f32
    %mul3A_72 = vector.broadcast %mul3A_71 : f32 to vector<16xf32>
    %mul3A_73 = arith.mulf %get3A_63, %mul3A_72 : vector<16xf32>
    %mul3A_74 = arith.constant -2.000000e+00 : f32
    %mul3A_75 = vector.broadcast %mul3A_74 : f32 to vector<16xf32>
    %mul3A_76 = arith.mulf %get3A_66, %mul3A_75 : vector<16xf32>
    %get3A_77 = arith.constant 32 : index
    %get3A_78 = tpu.vector_load %arg7[%get3A_77] {strides = array<i32>} : memref<64xf32, #tpu.memory_space<vmem>>, vector<16xf32>,
    %get3A_79 = vector.shape_cast %get3A_78 : vector<16xf32> to vector<16xf32>
    %get3A_80 = arith.constant 32 : index
    %get3A_81 = tpu.vector_load %arg8[%get3A_80] {strides = array<i32>} : memref<64xf32, #tpu.memory_space<vmem>>, vector<16xf32>,
    %get3A_82 = vector.shape_cast %get3A_81 : vector<16xf32> to vector<16xf32>
    %mul3A_83 = arith.mulf %get3A_79, %get3A_79 : vector<16xf32>
    %mul3A_84 = arith.mulf %get3A_82, %get3A_82 : vector<16xf32>
    %add3A_85 = arith.addf %mul3A_83, %mul3A_84 : vector<16xf32>
    %add3A_86 = arith.addf %add3A_70, %add3A_85 : vector<16xf32>
    %mul3A_87 = arith.constant -2.000000e+00 : f32
    %mul3A_88 = vector.broadcast %mul3A_87 : f32 to vector<16xf32>
    %mul3A_89 = arith.mulf %get3A_79, %mul3A_88 : vector<16xf32>
    %mul3A_90 = arith.constant -2.000000e+00 : f32
    %mul3A_91 = vector.broadcast %mul3A_90 : f32 to vector<16xf32>
    %mul3A_92 = arith.mulf %get3A_82, %mul3A_91 : vector<16xf32>
    %get3A_93 = arith.constant 48 : index
    %get3A_94 = tpu.vector_load %arg7[%get3A_93] {strides = array<i32>} : memref<64xf32, #tpu.memory_space<vmem>>, vector<16xf32>,
    %get3A_95 = vector.shape_cast %get3A_94 : vector<16xf32> to vector<16xf32>
    %get3A_96 = arith.constant 48 : index
    %get3A_97 = tpu.vector_load %arg8[%get3A_96] {strides = array<i32>} : memref<64xf32, #tpu.memory_space<vmem>>, vector<16xf32>,
    %get3A_98 = vector.shape_cast %get3A_97 : vector<16xf32> to vector<16xf32>
    %mul3A_99 = arith.mulf %get3A_95, %get3A_95 : vector<16xf32>
    %mul3A_100 = arith.mulf %get3A_98, %get3A_98 : vector<16xf32>
    %add3A_101 = arith.addf %mul3A_99, %mul3A_100 : vector<16xf32>
    %add3A_102 = arith.addf %add3A_86, %add3A_101 : vector<16xf32>
    %mul3A_103 = arith.constant -2.000000e+00 : f32
    %mul3A_104 = vector.broadcast %mul3A_103 : f32 to vector<16xf32>
    %mul3A_105 = arith.mulf %get3A_95, %mul3A_104 : vector<16xf32>
    %mul3A_106 = arith.constant -2.000000e+00 : f32
    %mul3A_107 = vector.broadcast %mul3A_106 : f32 to vector<16xf32>
    %mul3A_108 = arith.mulf %get3A_98, %mul3A_107 : vector<16xf32>
    %broadcast_in_dim3A_109 = arith.constant 3.000000e+38 : f32
    %broadcast_in_dim3A_110 = vector.broadcast %broadcast_in_dim3A_109 : f32 to vector<16xf32>
    %broadcast_in_dim3A_111 = arith.constant 3.000000e+38 : f32
    %broadcast_in_dim3A_112 = vector.broadcast %broadcast_in_dim3A_111 : f32 to vector<16xf32>
    %broadcast_in_dim3A_113 = arith.constant 3.000000e+38 : f32
    %broadcast_in_dim3A_114 = vector.broadcast %broadcast_in_dim3A_113 : f32 to vector<16xf32>
    %broadcast_in_dim3A_115 = arith.constant 3.000000e+38 : f32
    %broadcast_in_dim3A_116 = vector.broadcast %broadcast_in_dim3A_115 : f32 to vector<16xf32>
    %scan3A_117 = arith.constant 0 : i32
    %scan3A_118 = arith.constant 128 : i32
    %scan3A_119 = arith.addi %scan3A_117, %scan3A_118 : i32
    %scan3A_120 = arith.constant 1 : i32
    %scan3A_121:4 = scf.for %scan3A_132 = %scan3A_117 to %scan3A_119 step %scan3A_120 iter_args(%scan3A_133 = %broadcast_in_dim3A_110, %scan3A_134 = %broadcast_in_dim3A_112, %scan3A_135 = %broadcast_in_dim3A_114, %scan3A_136 = %broadcast_in_dim3A_116) -> (vector<16xf32>, vector<16xf32>, vector<16xf32>, vector<16xf32>)  : i32 {
      %mul3A_137 = arith.constant 16 : i32
      %mul3A_138 = arith.muli %scan3A_132, %mul3A_137 : i32
      %get3A_139 = arith.index_cast %mul3A_138 : i32 to index
      %get3A_140 = tpu.vector_load %arg9[%get3A_139] {strides = array<i32>} : memref<2048xf32, #tpu.memory_space<vmem>>, vector<16xf32>,
      %get3A_141 = vector.shape_cast %get3A_140 : vector<16xf32> to vector<16xf32>
      %get3A_142 = arith.index_cast %mul3A_138 : i32 to index
      %get3A_143 = tpu.vector_load %arg10[%get3A_142] {strides = array<i32>} : memref<2048xf32, #tpu.memory_space<vmem>>, vector<16xf32>,
      %get3A_144 = vector.shape_cast %get3A_143 : vector<16xf32> to vector<16xf32>
      %get3A_145 = arith.index_cast %mul3A_138 : i32 to index
      %get3A_146 = tpu.vector_load %arg11[%get3A_145] {strides = array<i32>} : memref<2048xf32, #tpu.memory_space<vmem>>, vector<16xf32>,
      %get3A_147 = vector.shape_cast %get3A_146 : vector<16xf32> to vector<16xf32>
      %scan3A_148 = arith.constant 0 : i32
      %scan3A_149 = arith.constant 16 : i32
      %scan3A_150 = arith.addi %scan3A_148, %scan3A_149 : i32
      %scan3A_151 = arith.constant 4 : i32
      %scan3A_152:4 = scf.for %scan3A_154 = %scan3A_148 to %scan3A_150 step %scan3A_151 iter_args(%scan3A_155 = %scan3A_133, %scan3A_156 = %scan3A_134, %scan3A_157 = %scan3A_135, %scan3A_158 = %scan3A_136) -> (vector<16xf32>, vector<16xf32>, vector<16xf32>, vector<16xf32>)  : i32 {
        %broadcast_in_dim3A_159 = vector.broadcast %scan3A_154 : i32 to vector<16xi32>
        %reshape3A = vector.shape_cast %broadcast_in_dim3A_159 : vector<16xi32> to vector<16x1xi32>
        %gather3A = vector.shape_cast %reshape3A : vector<16x1xi32> to vector<16xi32>
        %gather3A_160 = tpu.dynamic_gather %get3A_141[%gather3A] in [0] : vector<16xf32>, vector<16xi32> -> vector<16xf32>
        %reshape3A_161 = vector.shape_cast %broadcast_in_dim3A_159 : vector<16xi32> to vector<16x1xi32>
        %gather3A_162 = vector.shape_cast %reshape3A_161 : vector<16x1xi32> to vector<16xi32>
        %gather3A_163 = tpu.dynamic_gather %get3A_144[%gather3A_162] in [0] : vector<16xf32>, vector<16xi32> -> vector<16xf32>
        %reshape3A_164 = vector.shape_cast %broadcast_in_dim3A_159 : vector<16xi32> to vector<16x1xi32>
        %gather3A_165 = vector.shape_cast %reshape3A_164 : vector<16x1xi32> to vector<16xi32>
        %gather3A_166 = tpu.dynamic_gather %get3A_147[%gather3A_165] in [0] : vector<16xf32>, vector<16xi32> -> vector<16xf32>
        %mul3A_167 = arith.mulf %mul3A_57, %gather3A_160 : vector<16xf32>
        %add3A_168 = arith.addf %gather3A_166, %mul3A_167 : vector<16xf32>
        %mul3A_169 = arith.mulf %mul3A_60, %gather3A_163 : vector<16xf32>
        %add3A_170 = arith.addf %add3A_168, %mul3A_169 : vector<16xf32>
        %min3A = arith.minimumf %scan3A_155, %add3A_170 : vector<16xf32>
        %mul3A_171 = arith.mulf %mul3A_73, %gather3A_160 : vector<16xf32>
        %add3A_172 = arith.addf %gather3A_166, %mul3A_171 : vector<16xf32>
        %mul3A_173 = arith.mulf %mul3A_76, %gather3A_163 : vector<16xf32>
        %add3A_174 = arith.addf %add3A_172, %mul3A_173 : vector<16xf32>
        %min3A_175 = arith.minimumf %scan3A_156, %add3A_174 : vector<16xf32>
        %mul3A_176 = arith.mulf %mul3A_89, %gather3A_160 : vector<16xf32>
        %add3A_177 = arith.addf %gather3A_166, %mul3A_176 : vector<16xf32>
        %mul3A_178 = arith.mulf %mul3A_92, %gather3A_163 : vector<16xf32>
        %add3A_179 = arith.addf %add3A_177, %mul3A_178 : vector<16xf32>
        %min3A_180 = arith.minimumf %scan3A_157, %add3A_179 : vector<16xf32>
        %mul3A_181 = arith.mulf %mul3A_105, %gather3A_160 : vector<16xf32>
        %add3A_182 = arith.addf %gather3A_166, %mul3A_181 : vector<16xf32>
        %mul3A_183 = arith.mulf %mul3A_108, %gather3A_163 : vector<16xf32>
        %add3A_184 = arith.addf %add3A_182, %mul3A_183 : vector<16xf32>
        %min3A_185 = arith.minimumf %scan3A_158, %add3A_184 : vector<16xf32>
        %scan3A_186 = arith.constant 1 : i32
        %scan3A_187 = arith.addi %scan3A_154, %scan3A_186 : i32
        %broadcast_in_dim3A_188 = vector.broadcast %scan3A_187 : i32 to vector<16xi32>
        %reshape3A_189 = vector.shape_cast %broadcast_in_dim3A_188 : vector<16xi32> to vector<16x1xi32>
        %gather3A_190 = vector.shape_cast %reshape3A_189 : vector<16x1xi32> to vector<16xi32>
        %gather3A_191 = tpu.dynamic_gather %get3A_141[%gather3A_190] in [0] : vector<16xf32>, vector<16xi32> -> vector<16xf32>
        %reshape3A_192 = vector.shape_cast %broadcast_in_dim3A_188 : vector<16xi32> to vector<16x1xi32>
        %gather3A_193 = vector.shape_cast %reshape3A_192 : vector<16x1xi32> to vector<16xi32>
        %gather3A_194 = tpu.dynamic_gather %get3A_144[%gather3A_193] in [0] : vector<16xf32>, vector<16xi32> -> vector<16xf32>
        %reshape3A_195 = vector.shape_cast %broadcast_in_dim3A_188 : vector<16xi32> to vector<16x1xi32>
        %gather3A_196 = vector.shape_cast %reshape3A_195 : vector<16x1xi32> to vector<16xi32>
        %gather3A_197 = tpu.dynamic_gather %get3A_147[%gather3A_196] in [0] : vector<16xf32>, vector<16xi32> -> vector<16xf32>
        %mul3A_198 = arith.mulf %mul3A_57, %gather3A_191 : vector<16xf32>
        %add3A_199 = arith.addf %gather3A_197, %mul3A_198 : vector<16xf32>
        %mul3A_200 = arith.mulf %mul3A_60, %gather3A_194 : vector<16xf32>
        %add3A_201 = arith.addf %add3A_199, %mul3A_200 : vector<16xf32>
        %min3A_202 = arith.minimumf %min3A, %add3A_201 : vector<16xf32>
        %mul3A_203 = arith.mulf %mul3A_73, %gather3A_191 : vector<16xf32>
        %add3A_204 = arith.addf %gather3A_197, %mul3A_203 : vector<16xf32>
        %mul3A_205 = arith.mulf %mul3A_76, %gather3A_194 : vector<16xf32>
        %add3A_206 = arith.addf %add3A_204, %mul3A_205 : vector<16xf32>
        %min3A_207 = arith.minimumf %min3A_175, %add3A_206 : vector<16xf32>
        %mul3A_208 = arith.mulf %mul3A_89, %gather3A_191 : vector<16xf32>
        %add3A_209 = arith.addf %gather3A_197, %mul3A_208 : vector<16xf32>
        %mul3A_210 = arith.mulf %mul3A_92, %gather3A_194 : vector<16xf32>
        %add3A_211 = arith.addf %add3A_209, %mul3A_210 : vector<16xf32>
        %min3A_212 = arith.minimumf %min3A_180, %add3A_211 : vector<16xf32>
        %mul3A_213 = arith.mulf %mul3A_105, %gather3A_191 : vector<16xf32>
        %add3A_214 = arith.addf %gather3A_197, %mul3A_213 : vector<16xf32>
        %mul3A_215 = arith.mulf %mul3A_108, %gather3A_194 : vector<16xf32>
        %add3A_216 = arith.addf %add3A_214, %mul3A_215 : vector<16xf32>
        %min3A_217 = arith.minimumf %min3A_185, %add3A_216 : vector<16xf32>
        %scan3A_218 = arith.constant 2 : i32
        %scan3A_219 = arith.addi %scan3A_154, %scan3A_218 : i32
        %broadcast_in_dim3A_220 = vector.broadcast %scan3A_219 : i32 to vector<16xi32>
        %reshape3A_221 = vector.shape_cast %broadcast_in_dim3A_220 : vector<16xi32> to vector<16x1xi32>
        %gather3A_222 = vector.shape_cast %reshape3A_221 : vector<16x1xi32> to vector<16xi32>
        %gather3A_223 = tpu.dynamic_gather %get3A_141[%gather3A_222] in [0] : vector<16xf32>, vector<16xi32> -> vector<16xf32>
        %reshape3A_224 = vector.shape_cast %broadcast_in_dim3A_220 : vector<16xi32> to vector<16x1xi32>
        %gather3A_225 = vector.shape_cast %reshape3A_224 : vector<16x1xi32> to vector<16xi32>
        %gather3A_226 = tpu.dynamic_gather %get3A_144[%gather3A_225] in [0] : vector<16xf32>, vector<16xi32> -> vector<16xf32>
        %reshape3A_227 = vector.shape_cast %broadcast_in_dim3A_220 : vector<16xi32> to vector<16x1xi32>
        %gather3A_228 = vector.shape_cast %reshape3A_227 : vector<16x1xi32> to vector<16xi32>
        %gather3A_229 = tpu.dynamic_gather %get3A_147[%gather3A_228] in [0] : vector<16xf32>, vector<16xi32> -> vector<16xf32>
        %mul3A_230 = arith.mulf %mul3A_57, %gather3A_223 : vector<16xf32>
        %add3A_231 = arith.addf %gather3A_229, %mul3A_230 : vector<16xf32>
        %mul3A_232 = arith.mulf %mul3A_60, %gather3A_226 : vector<16xf32>
        %add3A_233 = arith.addf %add3A_231, %mul3A_232 : vector<16xf32>
        %min3A_234 = arith.minimumf %min3A_202, %add3A_233 : vector<16xf32>
        %mul3A_235 = arith.mulf %mul3A_73, %gather3A_223 : vector<16xf32>
        %add3A_236 = arith.addf %gather3A_229, %mul3A_235 : vector<16xf32>
        %mul3A_237 = arith.mulf %mul3A_76, %gather3A_226 : vector<16xf32>
        %add3A_238 = arith.addf %add3A_236, %mul3A_237 : vector<16xf32>
        %min3A_239 = arith.minimumf %min3A_207, %add3A_238 : vector<16xf32>
        %mul3A_240 = arith.mulf %mul3A_89, %gather3A_223 : vector<16xf32>
        %add3A_241 = arith.addf %gather3A_229, %mul3A_240 : vector<16xf32>
        %mul3A_242 = arith.mulf %mul3A_92, %gather3A_226 : vector<16xf32>
        %add3A_243 = arith.addf %add3A_241, %mul3A_242 : vector<16xf32>
        %min3A_244 = arith.minimumf %min3A_212, %add3A_243 : vector<16xf32>
        %mul3A_245 = arith.mulf %mul3A_105, %gather3A_223 : vector<16xf32>
        %add3A_246 = arith.addf %gather3A_229, %mul3A_245 : vector<16xf32>
        %mul3A_247 = arith.mulf %mul3A_108, %gather3A_226 : vector<16xf32>
        %add3A_248 = arith.addf %add3A_246, %mul3A_247 : vector<16xf32>
        %min3A_249 = arith.minimumf %min3A_217, %add3A_248 : vector<16xf32>
        %scan3A_250 = arith.constant 3 : i32
        %scan3A_251 = arith.addi %scan3A_154, %scan3A_250 : i32
        %broadcast_in_dim3A_252 = vector.broadcast %scan3A_251 : i32 to vector<16xi32>
        %reshape3A_253 = vector.shape_cast %broadcast_in_dim3A_252 : vector<16xi32> to vector<16x1xi32>
        %gather3A_254 = vector.shape_cast %reshape3A_253 : vector<16x1xi32> to vector<16xi32>
        %gather3A_255 = tpu.dynamic_gather %get3A_141[%gather3A_254] in [0] : vector<16xf32>, vector<16xi32> -> vector<16xf32>
        %reshape3A_256 = vector.shape_cast %broadcast_in_dim3A_252 : vector<16xi32> to vector<16x1xi32>
        %gather3A_257 = vector.shape_cast %reshape3A_256 : vector<16x1xi32> to vector<16xi32>
        %gather3A_258 = tpu.dynamic_gather %get3A_144[%gather3A_257] in [0] : vector<16xf32>, vector<16xi32> -> vector<16xf32>
        %reshape3A_259 = vector.shape_cast %broadcast_in_dim3A_252 : vector<16xi32> to vector<16x1xi32>
        %gather3A_260 = vector.shape_cast %reshape3A_259 : vector<16x1xi32> to vector<16xi32>
        %gather3A_261 = tpu.dynamic_gather %get3A_147[%gather3A_260] in [0] : vector<16xf32>, vector<16xi32> -> vector<16xf32>
        %mul3A_262 = arith.mulf %mul3A_57, %gather3A_255 : vector<16xf32>
        %add3A_263 = arith.addf %gather3A_261, %mul3A_262 : vector<16xf32>
        %mul3A_264 = arith.mulf %mul3A_60, %gather3A_258 : vector<16xf32>
        %add3A_265 = arith.addf %add3A_263, %mul3A_264 : vector<16xf32>
        %min3A_266 = arith.minimumf %min3A_234, %add3A_265 : vector<16xf32>
        %mul3A_267 = arith.mulf %mul3A_73, %gather3A_255 : vector<16xf32>
        %add3A_268 = arith.addf %gather3A_261, %mul3A_267 : vector<16xf32>
        %mul3A_269 = arith.mulf %mul3A_76, %gather3A_258 : vector<16xf32>
        %add3A_270 = arith.addf %add3A_268, %mul3A_269 : vector<16xf32>
        %min3A_271 = arith.minimumf %min3A_239, %add3A_270 : vector<16xf32>
        %mul3A_272 = arith.mulf %mul3A_89, %gather3A_255 : vector<16xf32>
        %add3A_273 = arith.addf %gather3A_261, %mul3A_272 : vector<16xf32>
        %mul3A_274 = arith.mulf %mul3A_92, %gather3A_258 : vector<16xf32>
        %add3A_275 = arith.addf %add3A_273, %mul3A_274 : vector<16xf32>
        %min3A_276 = arith.minimumf %min3A_244, %add3A_275 : vector<16xf32>
        %mul3A_277 = arith.mulf %mul3A_105, %gather3A_255 : vector<16xf32>
        %add3A_278 = arith.addf %gather3A_261, %mul3A_277 : vector<16xf32>
        %mul3A_279 = arith.mulf %mul3A_108, %gather3A_258 : vector<16xf32>
        %add3A_280 = arith.addf %add3A_278, %mul3A_279 : vector<16xf32>
        %min3A_281 = arith.minimumf %min3A_249, %add3A_280 : vector<16xf32>
        scf.yield %min3A_266, %min3A_271, %min3A_276, %min3A_281 : vector<16xf32>, vector<16xf32>, vector<16xf32>, vector<16xf32>
      }
      %scan3A_153 = arith.constant 16 : i32
      scf.yield %scan3A_152#0, %scan3A_152#1, %scan3A_152#2, %scan3A_152#3 : vector<16xf32>, vector<16xf32>, vector<16xf32>, vector<16xf32>
    }
    %scan3A_122 = arith.constant 128 : i32
    %add3A_123 = arith.addf %add3A_102, %scan3A_121#0 : vector<16xf32>
    %add3A_124 = arith.addf %add3A_123, %scan3A_121#1 : vector<16xf32>
    %add3A_125 = arith.addf %add3A_124, %scan3A_121#2 : vector<16xf32>
    %add3A_126 = arith.addf %add3A_125, %scan3A_121#3 : vector<16xf32>
    %swap3A = arith.constant 0 : index
    %swap3A_127 = tpu.vector_load %arg12[%swap3A] {strides = array<i32>} : memref<16xf32, #tpu.memory_space<vmem>>, vector<16xf32>,
    %swap3A_128 = vector.shape_cast %swap3A_127 : vector<16xf32> to vector<16xf32>
    %swap3A_129 = vector.shape_cast %add3A_126 : vector<16xf32> to vector<16xf32>
    tpu.vector_store %arg12[%swap3A], %swap3A_129 {strides = array<i32>} : memref<16xf32, #tpu.memory_space<vmem>>, vector<16xf32>,
    %mul3A_130 = arith.constant 16 : i32
    %mul3A_131 = arith.muli %add3A, %mul3A_130 : i32
    "tpu.region"() ({
      %run_scoped3A = tpu.sem_alloc : memref<!tpu.dma_semaphore, #tpu.memory_space<semaphore_mem>>
      %dma_start3A = tpu.memref_slice %arg6[%mul3A_131] : memref<512xf32, #tpu.memory_space<hbm>> -> memref<16xf32, #tpu.memory_space<hbm>>
      %dma_start3A_132 = tpu.memref_slice %arg6[%mul3A_131] : memref<512xf32, #tpu.memory_space<hbm>> -> memref<16xf32, #tpu.memory_space<hbm>>
      tpu.enqueue_dma source(%arg12 : memref<16xf32, #tpu.memory_space<vmem>>) target(%dma_start3A_132 : memref<16xf32, #tpu.memory_space<hbm>>) target_semaphore(%run_scoped3A : memref<!tpu.dma_semaphore, #tpu.memory_space<semaphore_mem>>)
      %dma_wait3A = tpu.memref_slice %arg6[%mul3A_131] : memref<512xf32, #tpu.memory_space<hbm>> -> memref<16xf32, #tpu.memory_space<hbm>>
      %dma_wait3A_133 = tpu.memref_slice %arg6[%mul3A_131] : memref<512xf32, #tpu.memory_space<hbm>> -> memref<16xf32, #tpu.memory_space<hbm>>
      tpu.wait_dma2 semaphore(%run_scoped3A : memref<!tpu.dma_semaphore, #tpu.memory_space<semaphore_mem>>) src(%arg12 : memref<16xf32, #tpu.memory_space<vmem>>) dst(%dma_wait3A_133 : memref<16xf32, #tpu.memory_space<hbm>>)
      tpu.yield
    }) : () -> ()
    return
  }
}

module attributes {stable_mosaic.version = 14 : i64} {
  func.func @_tc_body(%arg0: i32, %arg1: memref<1x1x2048xf32, #tpu.memory_space<vmem>>, %arg2: memref<1x1x2048xf32, #tpu.memory_space<vmem>>, %arg3: memref<1x1x2048xf32, #tpu.memory_space<vmem>>, %arg4: memref<1x1x2048xf32, #tpu.memory_space<vmem>>, %arg5: memref<1x1x128xf32, #tpu.memory_space<vmem>>) attributes {dimension_semantics = [#tpu.dimension_semantics<parallel>], iteration_bounds = array<i64: 4>, scalar_prefetch = 0 : i64, scratch_operands = 0 : i64, tpu.core_type = #tpu.core_type<tc>, window_params = [{transform_indices = @transform_0, window_bounds = array<i64: 1, 1, 2048>}, {transform_indices = @transform_1, window_bounds = array<i64: 1, 1, 2048>}, {transform_indices = @transform_2, window_bounds = array<i64: 1, 1, 2048>}, {transform_indices = @transform_3, window_bounds = array<i64: 1, 1, 2048>}, {transform_indices = @transform_4, window_bounds = array<i64: 1, 1, 128>}]} {
    %get3A = arith.constant 0 : index
    %get3A_0 = arith.constant 0 : index
    %get3A_1 = arith.constant 512 : index
    %get3A_2 = vector.load %arg1[%get3A, %get3A_0, %get3A_1] : memref<1x1x2048xf32, #tpu.memory_space<vmem>>, vector<1x1x768xf32>
    %get3A_3 = vector.shape_cast %get3A_2 : vector<1x1x768xf32> to vector<768xf32>
    %get3A_4 = arith.constant 0 : index
    %get3A_5 = arith.constant 0 : index
    %get3A_6 = arith.constant 512 : index
    %get3A_7 = vector.load %arg2[%get3A_4, %get3A_5, %get3A_6] : memref<1x1x2048xf32, #tpu.memory_space<vmem>>, vector<1x1x768xf32>
    %get3A_8 = vector.shape_cast %get3A_7 : vector<1x1x768xf32> to vector<768xf32>
    %mul3A = arith.constant -2.000000e+00 : f32
    %mul3A_9 = vector.broadcast %mul3A : f32 to vector<768xf32>
    %mul3A_10 = arith.mulf %get3A_3, %mul3A_9 : vector<768xf32>
    %broadcast_in_dim3A = vector.shape_cast %mul3A_10 : vector<768xf32> to vector<768x1xf32>
    %mul3A_11 = arith.constant -2.000000e+00 : f32
    %mul3A_12 = vector.broadcast %mul3A_11 : f32 to vector<768xf32>
    %mul3A_13 = arith.mulf %get3A_8, %mul3A_12 : vector<768xf32>
    %broadcast_in_dim3A_14 = vector.shape_cast %mul3A_13 : vector<768xf32> to vector<768x1xf32>
    %broadcast_in_dim3A_15 = arith.constant 3.000000e+38 : f32
    %broadcast_in_dim3A_16 = vector.broadcast %broadcast_in_dim3A_15 : f32 to vector<768xf32>
    %scan3A = arith.constant 0 : i32
    %mul3A_17 = arith.constant 2048 : i32
    %mul3A_18 = arith.muli %scan3A, %mul3A_17 : i32
    %get3A_19 = arith.constant 0 : index
    %get3A_20 = arith.constant 0 : index
    %get3A_21 = arith.index_cast %mul3A_18 : i32 to index
    %get3A_22 = vector.load %arg3[%get3A_19, %get3A_20, %get3A_21] : memref<1x1x2048xf32, #tpu.memory_space<vmem>>, vector<1x1x2048xf32>
    %get3A_23 = vector.shape_cast %get3A_22 : vector<1x1x2048xf32> to vector<2048xf32>
    %broadcast_in_dim3A_24 = vector.shape_cast %get3A_23 : vector<2048xf32> to vector<1x2048xf32>
    %mul3A_25 = arith.constant 2048 : i32
    %mul3A_26 = arith.muli %scan3A, %mul3A_25 : i32
    %get3A_27 = arith.constant 0 : index
    %get3A_28 = arith.constant 0 : index
    %get3A_29 = arith.index_cast %mul3A_26 : i32 to index
    %get3A_30 = vector.load %arg4[%get3A_27, %get3A_28, %get3A_29] : memref<1x1x2048xf32, #tpu.memory_space<vmem>>, vector<1x1x2048xf32>
    %get3A_31 = vector.shape_cast %get3A_30 : vector<1x1x2048xf32> to vector<2048xf32>
    %broadcast_in_dim3A_32 = vector.shape_cast %get3A_31 : vector<2048xf32> to vector<1x2048xf32>
    %mul3A_33 = arith.mulf %broadcast_in_dim3A_24, %broadcast_in_dim3A_24 : vector<1x2048xf32>
    %mul3A_34 = arith.mulf %broadcast_in_dim3A_32, %broadcast_in_dim3A_32 : vector<1x2048xf32>
    %add3A = arith.addf %mul3A_33, %mul3A_34 : vector<1x2048xf32>
    %mul3A_35 = vector.broadcast %broadcast_in_dim3A : vector<768x1xf32> to vector<768x2048xf32>
    %mul3A_36 = vector.broadcast %broadcast_in_dim3A_24 : vector<1x2048xf32> to vector<768x2048xf32>
    %mul3A_37 = arith.mulf %mul3A_35, %mul3A_36 : vector<768x2048xf32>
    %add3A_38 = vector.broadcast %add3A : vector<1x2048xf32> to vector<768x2048xf32>
    %add3A_39 = arith.addf %add3A_38, %mul3A_37 : vector<768x2048xf32>
    %mul3A_40 = vector.broadcast %broadcast_in_dim3A_14 : vector<768x1xf32> to vector<768x2048xf32>
    %mul3A_41 = vector.broadcast %broadcast_in_dim3A_32 : vector<1x2048xf32> to vector<768x2048xf32>
    %mul3A_42 = arith.mulf %mul3A_40, %mul3A_41 : vector<768x2048xf32>
    %add3A_43 = arith.addf %add3A_39, %mul3A_42 : vector<768x2048xf32>
    %reduce_min3A = arith.constant dense<0x7F800000> : vector<768xf32>
    %reduce_min3A_44 = vector.multi_reduction <minimumf>, %add3A_43, %reduce_min3A [1] : vector<768x2048xf32> to vector<768xf32>
    %min3A = arith.minimumf %broadcast_in_dim3A_16, %reduce_min3A_44 : vector<768xf32>
    %scan3A_45 = arith.constant 1 : i32
    %mul3A_46 = arith.mulf %get3A_3, %get3A_3 : vector<768xf32>
    %mul3A_47 = arith.mulf %get3A_8, %get3A_8 : vector<768xf32>
    %add3A_48 = arith.addf %mul3A_46, %mul3A_47 : vector<768xf32>
    %add3A_49 = arith.addf %min3A, %add3A_48 : vector<768xf32>
    %reduce_sum3A = vector.shape_cast %add3A_49 : vector<768xf32> to vector<1x768xf32>
    %reduce_sum3A_50 = arith.constant dense<0.000000e+00> : vector<1xf32>
    %reduce_sum3A_51 = vector.multi_reduction <add>, %reduce_sum3A, %reduce_sum3A_50 [1] : vector<1x768xf32> to vector<1xf32>
    %reduce_sum3A_52 = vector.shape_cast %reduce_sum3A_51 : vector<1xf32> to vector<1x1xf32>
    %reduce_sum3A_53 = vector.extract %reduce_sum3A_52[0, 0] : f32 from vector<1x1xf32>
    %add3A_54 = arith.constant 0.000000e+00 : f32
    %add3A_55 = arith.addf %add3A_54, %reduce_sum3A_53 : f32
    %get3A_56 = arith.constant 0 : index
    %get3A_57 = arith.constant 0 : index
    %get3A_58 = arith.constant 1280 : index
    %get3A_59 = vector.load %arg1[%get3A_56, %get3A_57, %get3A_58] : memref<1x1x2048xf32, #tpu.memory_space<vmem>>, vector<1x1x768xf32>
    %get3A_60 = vector.shape_cast %get3A_59 : vector<1x1x768xf32> to vector<768xf32>
    %get3A_61 = arith.constant 0 : index
    %get3A_62 = arith.constant 0 : index
    %get3A_63 = arith.constant 1280 : index
    %get3A_64 = vector.load %arg2[%get3A_61, %get3A_62, %get3A_63] : memref<1x1x2048xf32, #tpu.memory_space<vmem>>, vector<1x1x768xf32>
    %get3A_65 = vector.shape_cast %get3A_64 : vector<1x1x768xf32> to vector<768xf32>
    %mul3A_66 = arith.constant -2.000000e+00 : f32
    %mul3A_67 = vector.broadcast %mul3A_66 : f32 to vector<768xf32>
    %mul3A_68 = arith.mulf %get3A_60, %mul3A_67 : vector<768xf32>
    %broadcast_in_dim3A_69 = vector.shape_cast %mul3A_68 : vector<768xf32> to vector<768x1xf32>
    %mul3A_70 = arith.constant -2.000000e+00 : f32
    %mul3A_71 = vector.broadcast %mul3A_70 : f32 to vector<768xf32>
    %mul3A_72 = arith.mulf %get3A_65, %mul3A_71 : vector<768xf32>
    %broadcast_in_dim3A_73 = vector.shape_cast %mul3A_72 : vector<768xf32> to vector<768x1xf32>
    %broadcast_in_dim3A_74 = arith.constant 3.000000e+38 : f32
    %broadcast_in_dim3A_75 = vector.broadcast %broadcast_in_dim3A_74 : f32 to vector<768xf32>
    %scan3A_76 = arith.constant 0 : i32
    %mul3A_77 = arith.constant 2048 : i32
    %mul3A_78 = arith.muli %scan3A_76, %mul3A_77 : i32
    %get3A_79 = arith.constant 0 : index
    %get3A_80 = arith.constant 0 : index
    %get3A_81 = arith.index_cast %mul3A_78 : i32 to index
    %get3A_82 = vector.load %arg3[%get3A_79, %get3A_80, %get3A_81] : memref<1x1x2048xf32, #tpu.memory_space<vmem>>, vector<1x1x2048xf32>
    %get3A_83 = vector.shape_cast %get3A_82 : vector<1x1x2048xf32> to vector<2048xf32>
    %broadcast_in_dim3A_84 = vector.shape_cast %get3A_83 : vector<2048xf32> to vector<1x2048xf32>
    %mul3A_85 = arith.constant 2048 : i32
    %mul3A_86 = arith.muli %scan3A_76, %mul3A_85 : i32
    %get3A_87 = arith.constant 0 : index
    %get3A_88 = arith.constant 0 : index
    %get3A_89 = arith.index_cast %mul3A_86 : i32 to index
    %get3A_90 = vector.load %arg4[%get3A_87, %get3A_88, %get3A_89] : memref<1x1x2048xf32, #tpu.memory_space<vmem>>, vector<1x1x2048xf32>
    %get3A_91 = vector.shape_cast %get3A_90 : vector<1x1x2048xf32> to vector<2048xf32>
    %broadcast_in_dim3A_92 = vector.shape_cast %get3A_91 : vector<2048xf32> to vector<1x2048xf32>
    %mul3A_93 = arith.mulf %broadcast_in_dim3A_84, %broadcast_in_dim3A_84 : vector<1x2048xf32>
    %mul3A_94 = arith.mulf %broadcast_in_dim3A_92, %broadcast_in_dim3A_92 : vector<1x2048xf32>
    %add3A_95 = arith.addf %mul3A_93, %mul3A_94 : vector<1x2048xf32>
    %mul3A_96 = vector.broadcast %broadcast_in_dim3A_69 : vector<768x1xf32> to vector<768x2048xf32>
    %mul3A_97 = vector.broadcast %broadcast_in_dim3A_84 : vector<1x2048xf32> to vector<768x2048xf32>
    %mul3A_98 = arith.mulf %mul3A_96, %mul3A_97 : vector<768x2048xf32>
    %add3A_99 = vector.broadcast %add3A_95 : vector<1x2048xf32> to vector<768x2048xf32>
    %add3A_100 = arith.addf %add3A_99, %mul3A_98 : vector<768x2048xf32>
    %mul3A_101 = vector.broadcast %broadcast_in_dim3A_73 : vector<768x1xf32> to vector<768x2048xf32>
    %mul3A_102 = vector.broadcast %broadcast_in_dim3A_92 : vector<1x2048xf32> to vector<768x2048xf32>
    %mul3A_103 = arith.mulf %mul3A_101, %mul3A_102 : vector<768x2048xf32>
    %add3A_104 = arith.addf %add3A_100, %mul3A_103 : vector<768x2048xf32>
    %reduce_min3A_105 = arith.constant dense<0x7F800000> : vector<768xf32>
    %reduce_min3A_106 = vector.multi_reduction <minimumf>, %add3A_104, %reduce_min3A_105 [1] : vector<768x2048xf32> to vector<768xf32>
    %min3A_107 = arith.minimumf %broadcast_in_dim3A_75, %reduce_min3A_106 : vector<768xf32>
    %scan3A_108 = arith.constant 1 : i32
    %mul3A_109 = arith.mulf %get3A_60, %get3A_60 : vector<768xf32>
    %mul3A_110 = arith.mulf %get3A_65, %get3A_65 : vector<768xf32>
    %add3A_111 = arith.addf %mul3A_109, %mul3A_110 : vector<768xf32>
    %add3A_112 = arith.addf %min3A_107, %add3A_111 : vector<768xf32>
    %reduce_sum3A_113 = vector.shape_cast %add3A_112 : vector<768xf32> to vector<1x768xf32>
    %reduce_sum3A_114 = arith.constant dense<0.000000e+00> : vector<1xf32>
    %reduce_sum3A_115 = vector.multi_reduction <add>, %reduce_sum3A_113, %reduce_sum3A_114 [1] : vector<1x768xf32> to vector<1xf32>
    %reduce_sum3A_116 = vector.shape_cast %reduce_sum3A_115 : vector<1xf32> to vector<1x1xf32>
    %reduce_sum3A_117 = vector.extract %reduce_sum3A_116[0, 0] : f32 from vector<1x1xf32>
    %add3A_118 = arith.addf %add3A_55, %reduce_sum3A_117 : f32
    %broadcast_in_dim3A_119 = vector.broadcast %add3A_118 : f32 to vector<128xf32>
    %swap3A = arith.constant 0 : index
    %swap3A_120 = arith.constant 0 : index
    %swap3A_121 = arith.constant 0 : index
    %swap3A_122 = vector.load %arg5[%swap3A, %swap3A_120, %swap3A_121] : memref<1x1x128xf32, #tpu.memory_space<vmem>>, vector<1x1x128xf32>
    %swap3A_123 = vector.shape_cast %swap3A_122 : vector<1x1x128xf32> to vector<128xf32>
    %swap3A_124 = vector.shape_cast %broadcast_in_dim3A_119 : vector<128xf32> to vector<1x1x128xf32>
    tpu.vector_store %arg5[%swap3A, %swap3A_120, %swap3A_121], %swap3A_124 {strides = array<i32>} : memref<1x1x128xf32, #tpu.memory_space<vmem>>, vector<1x1x128xf32>,
    return
  }
  func.func @transform_0(%arg0: i32) -> (i32, i32, i32) {
    %c0_i32 = arith.constant 0 : i32
    %c0_i32_0 = arith.constant 0 : i32
    %c0_i32_1 = arith.constant 0 : i32
    return %arg0, %c0_i32, %c0_i32_0 : i32, i32, i32
  }
  func.func @transform_1(%arg0: i32) -> (i32, i32, i32) {
    %c0_i32 = arith.constant 0 : i32
    %c0_i32_0 = arith.constant 0 : i32
    %c0_i32_1 = arith.constant 0 : i32
    return %arg0, %c0_i32, %c0_i32_0 : i32, i32, i32
  }
  func.func @transform_2(%arg0: i32) -> (i32, i32, i32) {
    %c0_i32 = arith.constant 0 : i32
    %c0_i32_0 = arith.constant 0 : i32
    %c0_i32_1 = arith.constant 0 : i32
    return %arg0, %c0_i32, %c0_i32_0 : i32, i32, i32
  }
  func.func @transform_3(%arg0: i32) -> (i32, i32, i32) {
    %c0_i32 = arith.constant 0 : i32
    %c0_i32_0 = arith.constant 0 : i32
    %c0_i32_1 = arith.constant 0 : i32
    return %arg0, %c0_i32, %c0_i32_0 : i32, i32, i32
  }
  func.func @transform_4(%arg0: i32) -> (i32, i32, i32) {
    %c0_i32 = arith.constant 0 : i32
    %c0_i32_0 = arith.constant 0 : i32
    %c0_i32_1 = arith.constant 0 : i32
    return %arg0, %c0_i32, %c0_i32_0 : i32, i32, i32
  }
}

</mosaic_0001>

<sc_bundles>
// kernel: kernel.4.cloned.1.call-start
scs
__scs_entry_jumppad:
0x0: {  	(pc) =	sbr.rel $0x88, $3  }
0x1: {  	(tag) =	ssettag $0x0;
	lr =	simm.s32 $0x1  }
0x2: {  	[smem:$0x3F9F] =	sst lr;
	_ =	strace $0xD0000000  }
0x3: {  	_ = 	snop  }
0x4: {  	_ = 	snop  }
0x5: {  	_ = 	snop  }
0x6: {  	_ = 	snop  }
0x7: {  	_ = 	snop  }
__scs_overlays_trampoline_lowered:
0x8: {  	[smem:$0x3FAE] =	sst s0  }
0x9: {  	[smem:$0x3FAF] =	sst s1  }
0xa: {  	[smem:$0x3FB0] =	sst s2  }
0xb: {  	[smem:$0x3FB1] =	sst s3  }
0xc: {  	[smem:$0x3FB2] =	sst s4  }
0xd: {  	[smem:$0x3FB3] =	sst s5  }
0xe: {  	[smem:$0x3FB4] =	sst s6  }
0xf: {  	[smem:$0x3FB5] =	sst s7  }
0x10: {  	[smem:$0x3FB6] =	sst s8  }
0x11: {  	[smem:$0x3FB7] =	sst s9;
	s0 =	simm.s32 @!p0 $0x0  }
0x12: {  	s1 =	sld [smem:$0x3F9D];
	s0 =	simm.s32 @p0 $0x1  }
0x13: {  	[smem:$0x3FB8] =	sst s0;
	s0 =	simm.s32 @!p1 $0x0  }
0x14: {  	s2 =	sld [smem:$0x3F9C];
	s0 =	simm.s32 @p1 $0x1  }
0x15: {  	[smem:$0x3FB9] =	sst s0;
	s0 =	simm.s32 @!p2 $0x0  }
0x16: {  	s3 =	sld [smem:$0x3FDB];
	s0 =	simm.s32 @p2 $0x1  }
0x17: {  	s4 =	simm.s32 $0x1BF5;
	[smem:$0x3FBB] =	sst s0  }
0x18: {  	s0 =	sld [smem:$0x3F9E];
	_ =	swait.ge [sflag:s4], $0x0  }
0x19: {  	s7 =	sld [smem:$0x3F9F]  }
0x1a: {  	s8 =	sadd.s32 $0xFFFFE003, lr  }
0x1b: {  	s9 =	sadd.s32 $0xFFFFFEF7, lr;
	s5 =	simm.s32 $0xFFFFFFFF;
	p2 =	slt.u32 s8, $0xFFFFF086  }
0x1c: {  	p1 =	slt.u32 s9, $0xF7A;
	s5 =	simm.s32 @!p2 $0x0  }
0x1d: {  	s5 =	simm.s32 @p1 $0x1;
	p0 =	seq.s32 s7, s2  }
0x1e: {  	s7 =	smul.u32 @!p0 $0xF7A, s2;
	p2 =	seq.s32 @!p0 s5, $0x0  }
0x1f: {  	s9 =	smul.u32 $0xF7A, s1;
	s8 =	simm.s32 @!p0 $0x1BF5;
	p2 =	por !p2, p0  }
0x20: {  	[sflag:s8] =	ssyncset.s32 @!p0 $0xFFFFF086;
	s6 =	sadd.s32 @!p0 s3, s7;
	s7 =	simm.s32 @!p0 $0x108  }
0x21: {  	s3 =	sadd.s32 s3, s9;
	s6 =	sadd.s32 @!p0 $0x88, s6;
	s7 =	simm.s32 @p2 $0x1082  }
0x22: {  	[simem:s7], [sflag:s8] =	dma.local @!p0 [hbm:s6], $0xF7A  }
0x23: {  	s9 =	sor.u32 $0xD0000000, s2;
	s6 =	simm.s32 $0x108;
	_ =	swait.ge @!p0 [sflag:s8], $0x0  }
0x24: {  	s3 =	sadd.s32 $0x88, s3;
	s6 =	simm.s32 @!p1 $0x1082;
	[sflag:s4] =	ssyncset.s32 $0xFFFFF086  }
0x25: {  	[simem:s6], [sflag:s4] =	dma.local [hbm:s3], $0xF7A  }
0x26: {  	[smem:$0x3F9F] =	sst s1;
	(tag) =	ssettag s2;
	_ =	strace s9  }
0x27: {  	s1 =	sld [smem:$0x3FAF]  }
0x28: {  	s2 =	sld [smem:$0x3FB0]  }
0x29: {  	s4 =	sld [smem:$0x3FB2]  }
0x2a: {  	p0 =	seq.s32 s5, $0x0;
	s5 =	sld [smem:$0x3FB3]  }
0x2b: {  	s6 =	sld [smem:$0x3FB4]  }
0x2c: {  	s7 =	sld [smem:$0x3FB5]  }
0x2d: {  	s3 =	simm.s32 $0x108;
	s8 =	sld [smem:$0x3FB6]  }
0x2e: {  	s3 =	simm.s32 @!p0 $0x1082;
	s9 =	sld [smem:$0x3FB7]  }
0x2f: {  	lr =	sadd.s32 s0, s3;
	s0 =	sld [smem:$0x3FAE]  }
0x30: {  	s3 =	sld [smem:$0x3FB1]  }
0x31: {  	[smem:$0x3FBA] =	sst s10  }
0x32: {  	s10 =	sld [smem:$0x3FB8];
	_ =	sdelay $0x3  }
0x33: {  	p0 =	seq.s32 s10, $0x1;
	s10 =	sld [smem:$0x3FBA];
	_ =	sdelay $0x3  }
0x34: {  	[smem:$0x3FBA] =	sst s10  }
0x35: {  	s10 =	sld [smem:$0x3FB9];
	_ =	sdelay $0x3  }
0x36: {  	p1 =	seq.s32 s10, $0x1;
	s10 =	sld [smem:$0x3FBA];
	_ =	sdelay $0x3  }
0x37: {  	[smem:$0x3FBA] =	sst s10  }
0x38: {  	s10 =	sld [smem:$0x3FBB]  }
0x39: {  	_ = 	snop;
	(pc) =	sbr.ind lr, $3  }
0x3a: {  	_ = 	snop  }
0x3b: {  	_ = 	snop  }
0x3c: {  	p2 =	seq.s32 s10, $0x1;
	s10 =	sld [smem:$0x3FBA]  }
0x3d: {  	_ =	shalt  }
0x3e: {  	_ =	shalt  }
0x3f: {  	_ =	shalt  }
0x40: {  	_ =	shalt  }
0x41: {  	_ =	shalt  }
0x42: {  	_ =	shalt  }
0x43: {  	_ =	shalt  }
0x44: {  	_ =	shalt  }
0x45: {  	_ =	shalt  }
0x46: {  	_ =	shalt  }
0x47: {  	_ =	shalt  }
0x48: {  	_ =	shalt  }
0x49: {  	_ =	shalt  }
0x4a: {  	_ =	shalt  }
0x4b: {  	_ =	shalt  }
0x4c: {  	_ =	shalt  }
0x4d: {  	_ =	shalt  }
0x4e: {  	_ =	shalt  }
0x4f: {  	_ =	shalt  }
0x50: {  	_ =	shalt  }
0x51: {  	_ =	shalt  }
0x52: {  	_ =	shalt  }
0x53: {  	_ =	shalt  }
0x54: {  	_ =	shalt  }
0x55: {  	_ =	shalt  }
0x56: {  	_ =	shalt  }
0x57: {  	_ =	shalt  }
0x58: {  	_ =	shalt  }
0x59: {  	_ =	shalt  }
0x5a: {  	_ =	shalt  }
0x5b: {  	_ =	shalt  }
0x5c: {  	_ =	shalt  }
0x5d: {  	_ =	shalt  }
0x5e: {  	_ =	shalt  }
0x5f: {  	_ =	shalt  }
0x60: {  	_ =	shalt  }
0x61: {  	_ =	shalt  }
0x62: {  	_ =	shalt  }
0x63: {  	_ =	shalt  }
0x64: {  	_ =	shalt  }
0x65: {  	_ =	shalt  }
0x66: {  	_ =	shalt  }
0x67: {  	_ =	shalt  }
0x68: {  	_ =	shalt  }
0x69: {  	_ =	shalt  }
0x6a: {  	_ =	shalt  }
0x6b: {  	_ =	shalt  }
0x6c: {  	_ =	shalt  }
0x6d: {  	_ =	shalt  }
0x6e: {  	_ =	shalt  }
0x6f: {  	_ =	shalt  }
0x70: {  	_ =	shalt  }
0x71: {  	_ =	shalt  }
0x72: {  	_ =	shalt  }
0x73: {  	_ =	shalt  }
0x74: {  	_ =	shalt  }
0x75: {  	_ =	shalt  }
0x76: {  	_ =	shalt  }
0x77: {  	_ =	shalt  }
0x78: {  	_ =	shalt  }
0x79: {  	_ =	shalt  }
0x7a: {  	_ =	shalt  }
0x7b: {  	_ =	shalt  }
0x7c: {  	_ =	shalt  }
0x7d: {  	_ =	shalt  }
0x7e: {  	_ =	shalt  }
0x7f: {  	_ =	shalt  }
0x80: {  	_ =	shalt  }
0x81: {  	_ =	shalt  }
0x82: {  	_ =	shalt  }
0x83: {  	_ =	shalt  }
0x84: {  	_ =	shalt  }
0x85: {  	_ =	shalt  }
0x86: {  	_ =	shalt  }
0x87: {  	_ =	shalt  }
.Lfunc_end0:
.L_simem_size_0:
called_computation_lowered:
.L_overlay_start_0:
0x88: {  	s2 =	sld [smem:$0x3FD9]  }
0x89: {  	s3 =	sld [smem:$0x3FFE];
	_ =	sdelay $0x1  }
0x8a: {  	s1 =	srdreg.scid  }
0x8b: {  	s0 =	sand.u32 $0x1, s1  }
0x8c: {  	s16 =	sshll.u32 s0, $0xA;
	s2 =	sadd.s32 s3, s2  }
0x8d: {  	s2 =	sadd.s32 s2, s16  }
0x8e: {  	[smem:$0x3FC6] =	sst s2  }
0x8f: {  	_ = 	snop  }
0x90: {  	(tm) =	ssettm $0x1  }
0x91: {  	s17 =	sld [smem:$0x3FFB];
	_ =	sdelay $0x3  }
0x92: {  	_ =	strace s17  }
0x93: {  	s2 =	sld [smem:$0x3FFC];
	_ =	sdelay $0x3  }
0x94: {  	_ =	strace s2  }
0x95: {  	s2 =	sld [smem:$0x3FFD];
	_ =	sdelay $0x3  }
0x96: {  	_ =	strace s2  }
0x97: {  	_ =	strace $0x8FFFFFFF  }
0x98: {  	s18 =	sld [smem:$0x3FDB];
	_ =	sdelay $0x1  }
0x99: {  	s19 =	simm.s32 $_scs_section_size  }
0x9a: {  	s4 =	simm.s32 $_size__tile_overlayer_lowered;
	s5 =	simm.s32 $_tile_overlayer_lowered  }
0x9b: {  	s22 =	simm.s32 $0x1BFF;
	s21 =	sshll.u32 s5, $0x1;
	s2 =	sadd.s32 s19, s18  }
0x9c: {  	s6 =	simm.s32 $0x0;
	s20 =	sshll.u32 s4, $0x1;
	s4 =	sadd.s32 s21, s2  }
0x9d: {  	[timem:s6], [sflag:s22] =	dma.local [hbm:s4], s20  }
0x9e: {  	_ =	swait.ge [sflag:s22], s20  }
0x9f: {  	s3 =	ssub.s32 $0x0, s20;
	[sflag:s22] =	ssyncset.done $0x0  }
0xa0: {  	[sflag:s22] =	ssyncadd.s32 s3;
	_ =	sdelay $0x1  }
0xa1: {  	s23 =	simm.s32 $0x1B8B  }
0xa2: {  	_ =	swait.ge [sflag:s23], $0x1  }
0xa3: {  	[sflag:s23] =	ssyncset.done $0x0  }
0xa4: {  	s25 =	simm.s32 $0x1B8E;
	s24 =	sld [smem:$0x3FFE];
	[sflag:s23] =	ssyncadd.s32 $0xFFFFFFFF  }
0xa5: {  	s26 =	simm.s32 $execute0_lowered;
	[smem:$0x3FD2] =	sst s25  }
0xa6: {  	s4 =	sshll.u32 s26, $0x1;
	_ =	strace $0x80000046;
	[dreg:$0x1] =	wrdreg $0xFFFFFFFF  }
0xa7: {  	s28 =	simm.s32 $_size_execute0_lowered;
	s2 =	sadd.s32 s2, s4;
	[dreg:$0x0] =	wrdreg $0x0  }
0xa8: {  	s4 =	sshll.u32 s28, $0x1;
	[dreg:$0x2] =	wrdreg s2  }
0xa9: {  	[dreg:$0x3] =	wrdreg s4  }
0xaa: {  	[dreg:$0x4] =	wrdreg $0xC0  }
0xab: {  	_ =	task [dreg:s6], $0x5FFFF  }
0xac: {  	[dreg:$0x1] =	wrdreg $0xFFFFFFFF  }
0xad: {  	[dreg:$0x0] =	wrdreg $0x60  }
0xae: {  	[dreg:$0x2] =	wrdreg s24  }
0xaf: {  	[dreg:$0x3] =	wrdreg $0x9  }
0xb0: {  	_ =	task.clear_ibuf [dreg:s6], $0x4FFFF;
	_ =	strace $0x90000046  }
0xb1: {  	s29 =	simm.s32 $0x9;
	_ =	strace $0x80000048  }
0xb2: {  	_ =	swait.ge [sflag:s29], $0x1  }
0xb3: {  	[sflag:s29] =	ssyncadd.s32 $0xFFFFFFFF  }
0xb4: {  	_ =	strace $0x90000048  }
0xb5: {  	_ =	sfence  }
0xb6: {  	s30 =	sld [smem:$0x0];
	_ =	sdelay $0x2  }
0xb7: {  	s31 =	sshll.u32 s1, $0xD;
	s1 =	sshrl.u32 s1, $0x2  }
0xb8: {  	s3 =	sand.u32 $0x4000, s31;
	s1 =	sadd.s32 s1, s30  }
0xb9: {  	s0 =	sor.u32 s3, s0;
	s1 =	sshll.u32 s1, $0x11  }
0xba: {  	s0 =	sor.u32 s1, s0  }
0xbb: {  	s0 =	sadd.s32 $0x8F2B, s0  }
0xbc: {  	[sflag:s0] =	ssyncadd.remote.s32 $0x1  }
0xbd: {  	_ =	sfence.sel $0xFFFF  }
0xbe: {  	[dreg:$0x0] =	wrdreg $0xFFFFFFFF;
	(pc) =	sbr.abs _section_cstart, $3  }
0xbf: {  	[dreg:$0x1] =	wrdreg $0xFFFFFFFF  }
0xc0: {  	_ =	task.clear_ibuf [dreg:s6], $0x2FFFF;
	_ =	strace $0x9FFFFFFF  }
0xc1: {  	(tm) =	ssettm $0x7FFFFFFF  }
tec
execute0_lowered:
.L_overlay_start_1:
0x0: {  	(tag) =	ssettag $0x1  }
0x1: {  	s0 =	srdreg.scid  }
0x2: {  	s2 =	simm.s32 $0x1;
	s4 =	sand.u32 $0x1, s0  }
0x3: {  	s6 =	rddreg [dreg:$0x0];
	s0 =	stileid.u32;
	s1 =	sshll.u32 s4, $0x4  }
0x4: {  	s11 =	simm.s32 $0x100;
	s3 =	sand.u32 $0x7, s0;
	s5 =	sor.u32 s0, s1  }
0x5: {  	s12 =	simm.s32 $0x900;
	p1 =	sne.s32 s3, $0x0;
	p0 =	seq.s32 s5, $0x0  }
0x6: {  	s13 =	simm.s32 $0x1900;
	s14 =	simm.s32 $0x0;
	p0 =	por !p1, !p0  }
0x7: {  	s4 =	ssub.s32 $0x2, s4;
	s1 =	rddreg [dreg:$0x1];
	p0 =	por !p0, !p0  }
0x8: {  	s3 =	sshll.u32 s3, $0x6;
	s7 =	sshrl.u32 s5, $0x3;
	s2 =	simm.s32 @!p0 $0x0  }
0x9: {  	s31 =	sshrl.u32 s4, $0x1;
	s5 =	sshll.u32 s5, $0x1;
	s7 =	ssub.s32 s7, s2  }
0xa: {  	s10 =	ssub.s32 s4, s31;
	s2 =	simm.s32 $0x0;
	s7 =	sshll.u32 s7, $0xB  }
0xb: {  	s9 =	sadd.s32 s5, s6;
	[smem:$0x7FF] =	sst s2;
	s8 =	sor.u32 s3, s7  }
0xc: {  	_ =	strace $0x80000047;
	s7 =	sshrl.u32 s7, $0x3;
	s8 =	sshrl.u32 s8, $0x3  }
0xd: {  	s3 =	simm.s32 $0x1;
	s5 =	sadd.s32 s6, s7;
	s8 =	sadd.s32 s8, s6  }
0xe: {  	s7 =	sadd.s32 $0x400, s5;
	s4 =	sadd.s32 $0x800, s8;
	s6 =	sadd.s32 $0xC00, s8  }
0xf: {  	s8 =	sadd.s32 $0x1000, s9;
	s9 =	smax.u32 s10, $0x1;
	s10 =	simm.s32 $0x80  }
.LBB2_1:
0x10: {  	[tilespmem:s2], [sflag:$0x1] =	stream.linear.gather [hbm4b:s4+s2], $0x40, $0x38;
	[tilespmem:$0x1980] =	vst v63  }
0x11: {  	_ =	swait.ge [sflag:s3], $0x40  }
0x12: {  	[sflag:s3] =	ssyncset.done $0x0  }
0x13: {  	[sflag:s3] =	ssyncadd.s32 $0xFFFFFFC0  }
0x14: {  	[tilespmem:s10], [sflag:$0x1] =	stream.linear.gather [hbm4b:s6+s2], $0x40, $0x38;
	[tilespmem:$0x1980] =	vst v63  }
0x15: {  	_ =	swait.ge [sflag:s3], $0x40  }
0x16: {  	[sflag:s3] =	ssyncset.done $0x0  }
0x17: {  	[sflag:s3] =	ssyncadd.s32 $0xFFFFFFC0  }
0x18: {  	[tilespmem:s11], [sflag:$0x1] =	stream.linear.gather [hbm4b:s7+s2], $0x800, $0x38;
	[tilespmem:$0x1980] =	vst v63  }
0x19: {  	_ =	swait.ge [sflag:s3], $0x800  }
0x1a: {  	[sflag:s3] =	ssyncset.done $0x0  }
0x1b: {  	[sflag:s3] =	ssyncadd.s32 $0xFFFFF800  }
0x1c: {  	[tilespmem:s12], [sflag:$0x1] =	stream.linear.gather [hbm4b:s5+s2], $0x800, $0x38;
	[tilespmem:$0x1980] =	vst v63  }
0x1d: {  	_ =	swait.ge [sflag:s3], $0x800  }
0x1e: {  	[sflag:s3] =	ssyncset.done $0x0  }
0x1f: {  	s15 =	simm.s32 $0x0;
	[sflag:s3] =	ssyncadd.s32 $0xFFFFF800  }
0x20: {  	v0 =	vld [tilespmem:s15+$0x100]  }
0x21: {  	v1 =	vld [tilespmem:s15+$0x900];
	_ =	sdelay $0x2  }
0x22: {  	s16 =	simm.s32 $0x40  }
.LBB2_2:
0x23: {  	s17 =	sshra.s32 s16, $0x2;
	p0 =	sne.s32 s16, $0x1FC0  }
.Ltmp0:
0x24: {  	s16 =	sadd.s32 $0x40, s16;
	v2 =	vmul.f32 v0, v0;
	v0 =	vld [tilespmem:s17+$0x100];
	v3 =	vmul.f32 v1, v1;
	(pc) =	sbr.rel @p0 .LBB2_2-.Ltmp0, $3  }
0x25: {  	v1 =	vld [tilespmem:s17+$0x900]  }
0x26: {  	v2 =	vadd.f32 v3, v2;
	_ =	sdelay $0x1  }
0x27: {  	[tilespmem:s15+$0x1100] =	vst v2;
	s15 =	smov.u32 s17  }
0x28: {  	_ = 	snop  }
0x29: {  	v0 =	vmul.f32 v0, v0;
	v1 =	vmul.f32 v1, v1;
	_ =	sdelay $0x1  }
0x2a: {  	v0 =	vadd.f32 v1, v0;
	_ =	sdelay $0x1  }
0x2b: {  	[tilespmem:s15+$0x1100] =	vst v0  }
0x2c: {  	v4 =	vld [tilespmem:$0x0]  }
0x2d: {  	v5 =	vld [tilespmem:$0x80]  }
0x2e: {  	v6 =	vld [tilespmem:$0x10]  }
0x2f: {  	v7 =	vld [tilespmem:$0x90]  }
0x30: {  	v2 =	vld [tilespmem:$0x20]  }
0x31: {  	v3 =	vld [tilespmem:$0xA0]  }
0x32: {  	v0 =	vld [tilespmem:$0x30]  }
0x33: {  	v1 =	vld [tilespmem:$0xB0];
	_ =	sdelay $0x1  }
0x34: {  	v19 =	vimm.f32 $3.000000010e+38;
	v8 =	vmul.f32 $-2.000000000e+00, v4;
	v9 =	vmul.f32 $-2.000000000e+00, v5  }
0x35: {  	v16 =	vimm.f32 $3.000000010e+38;
	v10 =	vmul.f32 $-2.000000000e+00, v6;
	v11 =	vmul.f32 $-2.000000000e+00, v7  }
0x36: {  	v17 =	vimm.f32 $3.000000010e+38;
	v12 =	vmul.f32 $-2.000000000e+00, v2;
	v13 =	vmul.f32 $-2.000000000e+00, v3  }
0x37: {  	v30 =	vimm.f32 $3.000000010e+38;
	s16 =	simm.s32 $0x0;
	s15 =	simm.s32 $0x0;
	v14 =	vmul.f32 $-2.000000000e+00, v0;
	v15 =	vmul.f32 $-2.000000000e+00, v1  }
.LBB2_4:
0x38: {  	s17 =	sshll.u32 s16, $0x4  }
0x39: {  	s18 =	simm.s32 $0x1;
	v18 =	vld [tilespmem:s17+$0x100]  }
0x3a: {  	s30 =	simm.s32 $0x2;
	v20 =	vld [tilespmem:s17+$0x1100];
	v22 =	vmov s18  }
0x3b: {  	s31 =	simm.s32 $0x3;
	v21 =	vld [tilespmem:s17+$0x900];
	v23 =	vmov s30;
	v22 =	vand.u32 $0xF, v22  }
0x3c: {  	v33 =	vmov s31;
	v23 =	vand.u32 $0xF, v23;
	v22 =	vbroadcast v22, $0x0  }
0x3d: {  	v33 =	vand.u32 $0xF, v33;
	v23 =	vbroadcast v23, $0x0  }
0x3e: {  	v33 =	vbroadcast v33, $0x0;
	v24 =	vperm.xlane v18, v22  }
0x3f: {  	v25 =	vperm.xlane v20, v22;
	v26 =	vperm.xlane v18, v23  }
0x40: {  	v29 =	vperm.xlane v21, v23;
	v52 =	vperm.xlane v21, v33  }
0x41: {  	v39 =	vperm.xlane v21, v22;
	v27 =	vmul.f32 v24, v8  }
0x42: {  	v28 =	vmul.f32 v24, v14;
	v31 =	vmul.f32 v24, v12  }
0x43: {  	v32 =	vmul.f32 v26, v14;
	v34 =	vmul.f32 v26, v10  }
0x44: {  	v35 =	vmul.f32 v29, v11;
	v24 =	vmul.f32 v24, v10  }
0x45: {  	v36 =	vmul.f32 v29, v13;
	v53 =	vmul.f32 v52, v15  }
0x46: {  	v54 =	vmul.f32 v52, v13;
	v37 =	vmul.f32 v52, v9  }
0x47: {  	v55 =	vmov s15;
	v57 =	vmul.f32 v39, v13;
	v60 =	vmul.f32 v39, v9  }
0x48: {  	v50 =	vmul.f32 v39, v15;
	v38 =	vadd.f32 v25, v27;
	v27 =	vperm.xlane v20, v23  }
0x49: {  	v31 =	vadd.f32 v25, v31;
	v23 =	vmul.f32 v26, v12;
	v26 =	vmul.f32 v26, v8  }
0x4a: {  	v41 =	vadd.f32 v25, v28;
	v28 =	vperm.xlane v18, v33;
	v34 =	vadd.f32 v27, v34  }
0x4b: {  	v33 =	vperm.xlane v20, v33;
	v23 =	vadd.f32 v27, v23;
	v26 =	vadd.f32 v27, v26  }
0x4c: {  	v22 =	vmul.f32 v28, v8;
	v40 =	vadd.f32 v27, v32;
	v27 =	vmul.f32 v28, v12  }
0x4d: {  	v32 =	vand.u32 $0xF, v55;
	v42 =	vmul.f32 v28, v10;
	v56 =	vmul.f32 v28, v14  }
0x4e: {  	v24 =	vadd.f32 v25, v24;
	v43 =	vbroadcast v32, $0x0;
	v32 =	vmul.f32 v29, v9  }
0x4f: {  	v29 =	vmul.f32 v29, v15;
	v25 =	vadd.f32 v23, v36;
	v23 =	vadd.f32 v34, v35  }
0x50: {  	v22 =	vadd.f32 v33, v22;
	v27 =	vadd.f32 v33, v27;
	v36 =	vmul.f32 v52, v11  }
0x51: {  	v42 =	vadd.f32 v33, v42;
	v46 =	vadd.f32 v33, v56;
	v44 =	vperm.xlane v18, v43  }
0x52: {  	v33 =	vadd.f32 v31, v57;
	v34 =	vadd.f32 v41, v50;
	v45 =	vperm.xlane v21, v43  }
0x53: {  	v43 =	vperm.xlane v20, v43;
	v22 =	vadd.f32 v22, v37;
	v59 =	vmul.f32 v44, v8  }
0x54: {  	v35 =	vmul.f32 v39, v11;
	v28 =	vadd.f32 v27, v54;
	v27 =	vadd.f32 v42, v36  }
0x55: {  	v58 =	vmul.f32 v44, v12;
	v31 =	vmul.f32 v45, v9;
	v48 =	vadd.f32 v43, v59  }
0x56: {  	v42 =	vadd.f32 v38, v60;
	v37 =	vmul.f32 v45, v11;
	v63 =	vmul.f32 v44, v14  }
0x57: {  	v49 =	vmul.f32 v45, v13;
	v47 =	vadd.f32 v43, v58;
	v61 =	vadd.f32 v48, v31  }
0x58: {  	v36 =	vmul.f32 v45, v15;
	v62 =	vmul.f32 v44, v10;
	v39 =	vadd.f32 v43, v63  }
0x59: {  	v38 =	vadd.f32 v47, v49;
	v31 =	vadd.f32 v40, v29;
	v30 =	vmin.f32 v30, v61  }
0x5a: {  	s19 =	simm.s32 $0x4;
	v40 =	vadd.f32 v43, v62;
	v29 =	vadd.f32 v46, v53;
	v30 =	vmin.f32 v30, v42  }
.LBB2_5:
0x5b: {  	s20 =	sadd.s32 $0x1, s19  }
0x5c: {  	s21 =	sadd.s32 $0x2, s19;
	v37 =	vadd.f32 v40, v37;
	v16 =	vmin.f32 v16, v38;
	v26 =	vadd.f32 v26, v32;
	s18 =	smov.u32 s19;
	s17 =	sadd.s32 $0x4, s19  }
0x5d: {  	p0 =	slt.u32 s19, $0xC;
	v32 =	vmov s20;
	v38 =	vmov s21;
	v36 =	vadd.f32 v39, v36  }
0x5e: {  	v24 =	vadd.f32 v24, v35;
	v16 =	vmin.f32 v16, v33;
	v32 =	vand.u32 $0xF, v32  }
0x5f: {  	s19 =	sadd.s32 $0x3, s18;
	v33 =	vand.u32 $0xF, v38;
	v16 =	vmin.f32 v16, v25;
	v32 =	vbroadcast v32, $0x0  }
0x60: {  	v25 =	vbroadcast v33, $0x0;
	v33 =	vmov s19;
	v16 =	vmin.f32 v16, v28  }
0x61: {  	v17 =	vmin.f32 v17, v37;
	v28 =	vperm.xlane v18, v32;
	v35 =	vperm.xlane v20, v32  }
0x62: {  	v17 =	vmin.f32 v17, v24;
	v37 =	vperm.xlane v18, v25;
	v38 =	vperm.xlane v21, v25  }
0x63: {  	v19 =	vmin.f32 v19, v36;
	v24 =	vmul.f32 v28, v8;
	v39 =	vmul.f32 v28, v14  }
0x64: {  	v17 =	vmin.f32 v17, v23;
	v36 =	vmul.f32 v28, v12;
	v40 =	vmul.f32 v37, v14  }
0x65: {  	v23 =	vmul.f32 v37, v10;
	v42 =	vmul.f32 v38, v11;
	v41 =	vadd.f32 v35, v24  }
0x66: {  	v24 =	vmul.f32 v28, v10;
	v36 =	vadd.f32 v35, v36;
	v28 =	vperm.xlane v20, v25  }
0x67: {  	v19 =	vmin.f32 v19, v34;
	v17 =	vmin.f32 v17, v27;
	v25 =	vmul.f32 v37, v12  }
0x68: {  	v27 =	vmul.f32 v37, v8;
	v34 =	vmul.f32 v38, v13;
	v23 =	vadd.f32 v28, v23  }
0x69: {  	v33 =	vand.u32 $0xF, v33;
	v24 =	vadd.f32 v35, v24;
	v25 =	vadd.f32 v28, v25  }
0x6a: {  	v30 =	vmin.f32 v30, v26;
	v33 =	vbroadcast v33, $0x0;
	v43 =	vadd.f32 v35, v39  }
0x6b: {  	v30 =	vmin.f32 v30, v22;
	v26 =	vadd.f32 v28, v27;
	v25 =	vadd.f32 v25, v34  }
0x6c: {  	v19 =	vmin.f32 v19, v31;
	v27 =	vperm.xlane v18, v33;
	v34 =	vperm.xlane v21, v33  }
0x6d: {  	v31 =	vperm.xlane v21, v32;
	v19 =	vmin.f32 v19, v29;
	v33 =	vperm.xlane v20, v33  }
0x6e: {  	v23 =	vadd.f32 v23, v42;
	v22 =	vmul.f32 v27, v8;
	v29 =	vmul.f32 v34, v15  }
0x6f: {  	v39 =	vadd.f32 v28, v40;
	v28 =	vmul.f32 v27, v12;
	v35 =	vmul.f32 v34, v13  }
0x70: {  	v32 =	vmov s18;
	v22 =	vadd.f32 v33, v22;
	v37 =	vmul.f32 v34, v9  }
0x71: {  	v32 =	vand.u32 $0xF, v32;
	v40 =	vmul.f32 v27, v10;
	v28 =	vadd.f32 v33, v28  }
0x72: {  	v42 =	vbroadcast v32, $0x0;
	v34 =	vmul.f32 v34, v11;
	v22 =	vadd.f32 v22, v37  }
0x73: {  	v32 =	vmul.f32 v38, v9;
	v27 =	vmul.f32 v27, v14;
	v28 =	vadd.f32 v28, v35  }
0x74: {  	v44 =	vperm.xlane v18, v42;
	v45 =	vperm.xlane v21, v42;
	v35 =	vadd.f32 v33, v40  }
0x75: {  	v42 =	vperm.xlane v20, v42;
	v46 =	vadd.f32 v33, v27;
	v37 =	vmul.f32 v31, v13  }
0x76: {  	v40 =	vmul.f32 v44, v12;
	v27 =	vadd.f32 v35, v34  }
0x77: {  	v47 =	vmul.f32 v31, v9;
	v34 =	vmul.f32 v44, v8;
	v33 =	vadd.f32 v36, v37  }
0x78: {  	v48 =	vmul.f32 v45, v9;
	v40 =	vadd.f32 v42, v40;
	v35 =	vmul.f32 v31, v11  }
0x79: {  	v49 =	vmul.f32 v45, v13;
	v37 =	vmul.f32 v45, v11;
	v34 =	vadd.f32 v42, v34  }
.Ltmp1:
0x7a: {  	v41 =	vadd.f32 v41, v47;
	v36 =	vmul.f32 v45, v15;
	v45 =	vmul.f32 v38, v15;
	(pc) =	sbr.rel @p0 .LBB2_5-.Ltmp1, $4  }
0x7b: {  	v47 =	vmul.f32 v44, v10;
	v34 =	vadd.f32 v34, v48;
	v48 =	vmul.f32 v31, v15  }
0x7c: {  	v44 =	vmul.f32 v44, v14;
	v38 =	vadd.f32 v40, v49;
	v31 =	vadd.f32 v39, v45  }
0x7d: {  	v29 =	vadd.f32 v46, v29;
	v40 =	vadd.f32 v42, v47;
	v30 =	vmin.f32 v30, v34  }
0x7e: {  	s19 =	smov.u32 s17;
	v39 =	vadd.f32 v42, v44;
	v34 =	vadd.f32 v43, v48;
	v30 =	vmin.f32 v30, v41  }
0x7f: {  	s16 =	sadd.s32 $0x1, s16  }
0x80: {  	v18 =	vadd.f32 v40, v37;
	v16 =	vmin.f32 v16, v38;
	v20 =	vadd.f32 v39, v36;
	p0 =	sne.s32 s16, $0x80  }
.Ltmp2:
0x81: {  	v21 =	vadd.f32 v26, v32;
	v24 =	vadd.f32 v24, v35;
	v16 =	vmin.f32 v16, v33;
	(pc) =	sbr.rel @p0 .LBB2_4-.Ltmp2, $4  }
0x82: {  	v16 =	vmin.f32 v16, v25;
	v17 =	vmin.f32 v17, v18;
	v18 =	vmin.f32 v19, v20  }
0x83: {  	v16 =	vmin.f32 v16, v28;
	v17 =	vmin.f32 v17, v24;
	v18 =	vmin.f32 v18, v34  }
0x84: {  	v19 =	vmin.f32 v30, v21;
	v17 =	vmin.f32 v17, v23;
	v18 =	vmin.f32 v18, v31  }
0x85: {  	v30 =	vmin.f32 v19, v22;
	v17 =	vmin.f32 v17, v27;
	v19 =	vmin.f32 v18, v29  }
0x86: {  	v4 =	vmul.f32 v4, v4;
	v5 =	vmul.f32 v5, v5  }
0x87: {  	v6 =	vmul.f32 v6, v6;
	v7 =	vmul.f32 v7, v7  }
0x88: {  	v2 =	vmul.f32 v2, v2  }
0x89: {  	v3 =	vmul.f32 v3, v3;
	v4 =	vadd.f32 v5, v4;
	v63 =	vadd.f32 v7, v6  }
0x8a: {  	v0 =	vmul.f32 v0, v0  }
0x8b: {  	v1 =	vmul.f32 v1, v1;
	v2 =	vadd.f32 v3, v2;
	v4 =	vadd.f32 v63, v4;
	_ =	sdelay $0x1  }
0x8c: {  	v0 =	vadd.f32 v1, v0;
	v2 =	vadd.f32 v2, v4;
	_ =	sdelay $0x1  }
0x8d: {  	v0 =	vadd.f32 v0, v2;
	_ =	sdelay $0x1  }
0x8e: {  	v0 =	vadd.f32 v30, v0;
	_ =	sdelay $0x1  }
0x8f: {  	v0 =	vadd.f32 v17, v0;
	_ =	sdelay $0x1  }
0x90: {  	v0 =	vadd.f32 v16, v0;
	_ =	sdelay $0x1  }
0x91: {  	s14 =	sadd.s32 $0x1, s14;
	v0 =	vadd.f32 v19, v0  }
0x92: {  	p0 =	sne.s32 s14, s9  }
.Ltmp3:
0x93: {  	[tilespmem:$0x1900] =	vst v0;
	(pc) =	sbr.rel @p0 .LBB2_1-.Ltmp3, $4  }
0x94: {  	[hbm4b:s8+s2] =	stream.linear.scatter [tilespmem:s13], [sflag:$0x1], $0x10, $0x38;
	[tilespmem:$0x1980] =	vst v63  }
0x95: {  	_ =	swait.ge [sflag:s3], $0x10  }
0x96: {  	[sflag:s3] =	ssyncset.done $0x0  }
0x97: {  	[sflag:s3] =	ssyncadd.s32 $0xFFFFFFF0  }
0x98: {  	_ =	sfence.sel $0x180000  }
0x99: {  	[bflag:$0x0] =	sbarrier.arrive $0xFFFF  }
0x9a: {  	p0 =	sne.s32 s0, $0x0;
	_ =	strace $0x90000047  }
0x9b: {  	s0 =	sadd.s32 @!p0 $0x100000, s1;
	[bflag:$0x2] =	sbarrier.arrive $0xFFFF  }
0x9c: {  	[sflag:s0] =	ssyncadd.tile.s32 @!p0 $0x1;
	_ =	shalt  }
.Lfunc_end2:
_tile_overlayer_lowered:
.L_overlay_start_2:
0x9d: {  	(tag) =	ssettag $0x2  }
0x9e: {  	s0 =	rddreg [dreg:$0x0];
	s2 =	stileid.u32  }
0x9f: {  	s1 =	rddreg [dreg:$0x1];
	p0 =	sne.s32 s2, $0x0  }
0xa0: {  	s3 =	rddreg [dreg:$0x2];
	[bflag:$0x3] =	sbarrier.arrive $0xFFFF;
	s2 =	simm.s32 @!p0 $0x1C01  }
0xa1: {  	[timem:s3], [sflag:s2] =	dma.local @!p0 [hbm:s0], s1  }
0xa2: {  	s0 =	simm.s32 @!p0 $0x1  }
0xa3: {  	_ =	swait.ge @!p0 [sflag:s0], s1  }
0xa4: {  	s1 =	ssub.s32 @!p0 $0x0, s1;
	[sflag:s0] =	ssyncset.done @!p0 $0x0  }
0xa5: {  	[sflag:s0] =	ssyncadd.s32 @!p0 s1  }
0xa6: {  	[bflag:$0x3] =	sbarrier.arrive $0xFFFF  }
0xa7: {  	_ =	shalt  }

</sc_bundles>
